<compile_context>
chip_gen: v7x
topology: tpu7x:2x2x1
jax: 0.10.2.dev20260603
libtpu: 0.0.44.dev20260713+nightly
codegen_flags: <defaults>
</compile_context>

<pallas_src>
import functools

import jax
import jax.numpy as jnp
from jax import lax
from jax.experimental import pallas as pl
from jax.experimental.pallas import tpu as pltpu
from jax.experimental.pallas import tpu_sc as plsc

NR = 1048576
D = 9
L = 16

_info = plsc.get_sparse_core_info()
NC = _info.num_cores
NS = _info.num_subcores
NW = NC * NS
PER_W = NR // NW
CHUNK = 4096
GROUPS = PER_W // CHUNK
UNROLL = 4


def _sc_lookup(cam_id, table_flat):
    mesh = plsc.VectorSubcoreMesh(core_axis_name="c", subcore_axis_name="s")

    @functools.partial(
        pl.kernel,
        mesh=mesh,
        out_type=jax.ShapeDtypeStruct((D * NR,), jnp.float32),
        scratch_types=[
            pltpu.VMEM((CHUNK,), jnp.int32),
            pltpu.VMEM((D * CHUNK,), jnp.float32),
            pltpu.VMEM((16 * D,), jnp.float32),
        ],
        compiler_params=pltpu.CompilerParams(
            use_tc_tiling_on_sc=False, needs_layout_passes=False
        ),
    )
    def k(cam_hbm, table_hbm, out_hbm, idx_v, planes_v, table_v):
        wid = lax.axis_index("s") * NC + lax.axis_index("c")

        pltpu.sync_copy(table_hbm, table_v)

        def group(g, carry):
            base = wid * PER_W + g * CHUNK
            pltpu.sync_copy(cam_hbm.at[pl.ds(base, CHUNK)], idx_v)

            def block(i, c2):
                for u in range(UNROLL):
                    b = i * UNROLL + u
                    ids = idx_v[pl.ds(b * L, L)]
                    fidx = ids * D
                    for p in range(D):
                        vals = plsc.load_gather(table_v, [fidx + p])
                        planes_v[pl.ds(p * CHUNK + b * L, L)] = vals
                return c2

            lax.fori_loop(0, CHUNK // (L * UNROLL), block, 0)
            for p in range(D):
                pltpu.sync_copy(
                    planes_v.at[pl.ds(p * CHUNK, CHUNK)],
                    out_hbm.at[pl.ds(p * NR + base, CHUNK)],
                )
            return carry

        lax.fori_loop(0, GROUPS, group, 0)

    return k(cam_id, table_flat)


def kernel(cam_id, initial_intrinsics):
    table_flat = initial_intrinsics.reshape(16 * D)
    out = _sc_lookup(cam_id, table_flat)
    return out.reshape(3, 3, NR).transpose(2, 0, 1)

# --- scband reference (transcript-rebuilt; emitter-appended) ---
"""Pipeline reference for scband-intrinsics-learner-30374008717850 (READ-ONLY COPY).

The authoritative reference and input builder live on the scoring server;
editing this copy changes nothing except your own understanding.
"""

import jax, jax.numpy as jnp
import numpy as np

NUM_CAMS = 16
NR = 1048576

def _make_table():
    fx = 500.0 + 10.0 * np.arange(NUM_CAMS, dtype=np.float32)
    table = np.zeros((NUM_CAMS, 3, 3), dtype=np.float32)
    table[:, 0, 0] = fx
    table[:, 0, 2] = 320.0
    table[:, 1, 1] = fx
    table[:, 1, 2] = 240.0
    table[:, 2, 2] = 1.0
    return jnp.asarray(table)

def setup_inputs(seed: int = 0) -> dict:
    key = jax.random.key(seed)
    cam_id = jax.random.randint(key, (NR,), 0, NUM_CAMS, dtype=jnp.int32)
    table = _make_table()
    return {"cam_id": cam_id, "initial_intrinsics": table}

def reference(cam_id, initial_intrinsics):
    # intrinsics = self.initial_intrinsics[cam_id]
    intrinsics = jnp.take(initial_intrinsics, cam_id, axis=0)
    return intrinsics

if __name__ == "__main__":
    import jax
    _d = setup_inputs()
    print(jax.jit(kernel)(*tuple(_d.values())))

</pallas_src>

<mosaic_0001>
#map = affine_map<(d0, d1) -> (0)>
module attributes {stable_mosaic.version = 14 : i64} {
  func.func @k(%arg0: i32, %arg1: i32, %arg2: memref<1048576xi32, #tpu.memory_space<hbm>>, %arg3: memref<144xf32, #tpu.memory_space<hbm>>, %arg4: memref<9437184xf32, #tpu.memory_space<hbm>>, %arg5: memref<4096xi32, #tpu.memory_space<vmem>>, %arg6: memref<36864xf32, #tpu.memory_space<vmem>>, %arg7: memref<144xf32, #tpu.memory_space<vmem>>) attributes {dimension_semantics = [#tpu.dimension_semantics<core_parallel>, #tpu.dimension_semantics<subcore_parallel>], iteration_bounds = array<i64: 2, 16>, scalar_prefetch = 0 : i64, scratch_operands = 3 : i64, tpu.core_type = #tpu.core_type<sc_vector_subcore>, window_params = [{transform_indices = #map}, {transform_indices = #map}, {transform_indices = #map}]} {
    %mul3A = arith.constant 2 : i32
    %mul3A_0 = arith.muli %arg1, %mul3A : i32
    %add3A = arith.addi %mul3A_0, %arg0 : i32
    "tpu.region"() ({
      %run_scoped3A = tpu.sem_alloc : memref<!tpu.dma_semaphore, #tpu.memory_space<semaphore_mem>>
      tpu.enqueue_dma source(%arg3 : memref<144xf32, #tpu.memory_space<hbm>>) target(%arg7 : memref<144xf32, #tpu.memory_space<vmem>>) target_semaphore(%run_scoped3A : memref<!tpu.dma_semaphore, #tpu.memory_space<semaphore_mem>>)
      tpu.wait_dma2 semaphore(%run_scoped3A : memref<!tpu.dma_semaphore, #tpu.memory_space<semaphore_mem>>) src(%arg3 : memref<144xf32, #tpu.memory_space<hbm>>) dst(%arg7 : memref<144xf32, #tpu.memory_space<vmem>>)
      tpu.yield
    }) : () -> ()
    %scan3A = arith.constant 0 : i32
    %scan3A_1 = arith.constant 0 : i32
    %scan3A_2 = arith.constant 8 : i32
    %scan3A_3 = arith.addi %scan3A_1, %scan3A_2 : i32
    %scan3A_4 = arith.constant 1 : i32
    scf.for %scan3A_6 = %scan3A_1 to %scan3A_3 step %scan3A_4  : i32 {
      %mul3A_7 = arith.constant 32768 : i32
      %mul3A_8 = arith.muli %add3A, %mul3A_7 : i32
      %mul3A_9 = arith.constant 4096 : i32
      %mul3A_10 = arith.muli %scan3A_6, %mul3A_9 : i32
      %add3A_11 = arith.addi %mul3A_8, %mul3A_10 : i32
      "tpu.region"() ({
        %run_scoped3A = tpu.sem_alloc : memref<!tpu.dma_semaphore, #tpu.memory_space<semaphore_mem>>
        %dma_start3A = tpu.memref_slice %arg2[%add3A_11] : memref<1048576xi32, #tpu.memory_space<hbm>> -> memref<4096xi32, #tpu.memory_space<hbm>>
        %dma_start3A_36 = tpu.memref_slice %arg2[%add3A_11] : memref<1048576xi32, #tpu.memory_space<hbm>> -> memref<4096xi32, #tpu.memory_space<hbm>>
        tpu.enqueue_dma source(%dma_start3A_36 : memref<4096xi32, #tpu.memory_space<hbm>>) target(%arg5 : memref<4096xi32, #tpu.memory_space<vmem>>) target_semaphore(%run_scoped3A : memref<!tpu.dma_semaphore, #tpu.memory_space<semaphore_mem>>)
        %dma_wait3A = tpu.memref_slice %arg2[%add3A_11] : memref<1048576xi32, #tpu.memory_space<hbm>> -> memref<4096xi32, #tpu.memory_space<hbm>>
        %dma_wait3A_37 = tpu.memref_slice %arg2[%add3A_11] : memref<1048576xi32, #tpu.memory_space<hbm>> -> memref<4096xi32, #tpu.memory_space<hbm>>
        tpu.wait_dma2 semaphore(%run_scoped3A : memref<!tpu.dma_semaphore, #tpu.memory_space<semaphore_mem>>) src(%dma_wait3A_37 : memref<4096xi32, #tpu.memory_space<hbm>>) dst(%arg5 : memref<4096xi32, #tpu.memory_space<vmem>>)
        tpu.yield
      }) : () -> ()
      %scan3A_12 = arith.constant 0 : i32
      %scan3A_13 = arith.constant 0 : i32
      %scan3A_14 = arith.constant 64 : i32
      %scan3A_15 = arith.addi %scan3A_13, %scan3A_14 : i32
      %scan3A_16 = arith.constant 1 : i32
      scf.for %scan3A_36 = %scan3A_13 to %scan3A_15 step %scan3A_16  : i32 {
        %mul3A_37 = arith.constant 4 : i32
        %mul3A_38 = arith.muli %scan3A_36, %mul3A_37 : i32
        %add3A_39 = arith.constant 0 : i32
        %add3A_40 = arith.addi %mul3A_38, %add3A_39 : i32
        %mul3A_41 = arith.constant 16 : i32
        %mul3A_42 = arith.muli %add3A_40, %mul3A_41 : i32
        %get3A = arith.index_cast %mul3A_42 : i32 to index
        %get3A_43 = tpu.vector_load %arg5[%get3A] {strides = array<i32>} : memref<4096xi32, #tpu.memory_space<vmem>>, vector<16xi32>,
        %mul3A_44 = arith.constant 9 : i32
        %mul3A_45 = vector.broadcast %mul3A_44 : i32 to vector<16xi32>
        %mul3A_46 = arith.muli %get3A_43, %mul3A_45 : vector<16xi32>
        %add3A_47 = arith.constant 0 : i32
        %add3A_48 = vector.broadcast %add3A_47 : i32 to vector<16xi32>
        %add3A_49 = arith.addi %mul3A_46, %add3A_48 : vector<16xi32>
        %gather3A = tpu.vector_load_idx %arg7[%add3A_49] : memref<144xf32, #tpu.memory_space<vmem>>[vector<16xi32>], vector<16xf32>,
        %mul3A_50 = arith.constant 16 : i32
        %mul3A_51 = arith.muli %add3A_40, %mul3A_50 : i32
        %add3A_52 = arith.constant 0 : i32
        %add3A_53 = arith.addi %add3A_52, %mul3A_51 : i32
        %swap3A = arith.index_cast %add3A_53 : i32 to index
        %swap3A_54 = tpu.vector_load %arg6[%swap3A] {strides = array<i32>} : memref<36864xf32, #tpu.memory_space<vmem>>, vector<16xf32>,
        tpu.vector_store %arg6[%swap3A], %gather3A {strides = array<i32>} : memref<36864xf32, #tpu.memory_space<vmem>>, vector<16xf32>,
        %add3A_55 = arith.constant 1 : i32
        %add3A_56 = vector.broadcast %add3A_55 : i32 to vector<16xi32>
        %add3A_57 = arith.addi %mul3A_46, %add3A_56 : vector<16xi32>
        %gather3A_58 = tpu.vector_load_idx %arg7[%add3A_57] : memref<144xf32, #tpu.memory_space<vmem>>[vector<16xi32>], vector<16xf32>,
        %mul3A_59 = arith.constant 16 : i32
        %mul3A_60 = arith.muli %add3A_40, %mul3A_59 : i32
        %add3A_61 = arith.constant 4096 : i32
        %add3A_62 = arith.addi %add3A_61, %mul3A_60 : i32
        %swap3A_63 = arith.index_cast %add3A_62 : i32 to index
        %swap3A_64 = tpu.vector_load %arg6[%swap3A_63] {strides = array<i32>} : memref<36864xf32, #tpu.memory_space<vmem>>, vector<16xf32>,
        tpu.vector_store %arg6[%swap3A_63], %gather3A_58 {strides = array<i32>} : memref<36864xf32, #tpu.memory_space<vmem>>, vector<16xf32>,
        %add3A_65 = arith.constant 2 : i32
        %add3A_66 = vector.broadcast %add3A_65 : i32 to vector<16xi32>
        %add3A_67 = arith.addi %mul3A_46, %add3A_66 : vector<16xi32>
        %gather3A_68 = tpu.vector_load_idx %arg7[%add3A_67] : memref<144xf32, #tpu.memory_space<vmem>>[vector<16xi32>], vector<16xf32>,
        %mul3A_69 = arith.constant 16 : i32
        %mul3A_70 = arith.muli %add3A_40, %mul3A_69 : i32
        %add3A_71 = arith.constant 8192 : i32
        %add3A_72 = arith.addi %add3A_71, %mul3A_70 : i32
        %swap3A_73 = arith.index_cast %add3A_72 : i32 to index
        %swap3A_74 = tpu.vector_load %arg6[%swap3A_73] {strides = array<i32>} : memref<36864xf32, #tpu.memory_space<vmem>>, vector<16xf32>,
        tpu.vector_store %arg6[%swap3A_73], %gather3A_68 {strides = array<i32>} : memref<36864xf32, #tpu.memory_space<vmem>>, vector<16xf32>,
        %add3A_75 = arith.constant 3 : i32
        %add3A_76 = vector.broadcast %add3A_75 : i32 to vector<16xi32>
        %add3A_77 = arith.addi %mul3A_46, %add3A_76 : vector<16xi32>
        %gather3A_78 = tpu.vector_load_idx %arg7[%add3A_77] : memref<144xf32, #tpu.memory_space<vmem>>[vector<16xi32>], vector<16xf32>,
        %mul3A_79 = arith.constant 16 : i32
        %mul3A_80 = arith.muli %add3A_40, %mul3A_79 : i32
        %add3A_81 = arith.constant 12288 : i32
        %add3A_82 = arith.addi %add3A_81, %mul3A_80 : i32
        %swap3A_83 = arith.index_cast %add3A_82 : i32 to index
        %swap3A_84 = tpu.vector_load %arg6[%swap3A_83] {strides = array<i32>} : memref<36864xf32, #tpu.memory_space<vmem>>, vector<16xf32>,
        tpu.vector_store %arg6[%swap3A_83], %gather3A_78 {strides = array<i32>} : memref<36864xf32, #tpu.memory_space<vmem>>, vector<16xf32>,
        %add3A_85 = arith.constant 4 : i32
        %add3A_86 = vector.broadcast %add3A_85 : i32 to vector<16xi32>
        %add3A_87 = arith.addi %mul3A_46, %add3A_86 : vector<16xi32>
        %gather3A_88 = tpu.vector_load_idx %arg7[%add3A_87] : memref<144xf32, #tpu.memory_space<vmem>>[vector<16xi32>], vector<16xf32>,
        %mul3A_89 = arith.constant 16 : i32
        %mul3A_90 = arith.muli %add3A_40, %mul3A_89 : i32
        %add3A_91 = arith.constant 16384 : i32
        %add3A_92 = arith.addi %add3A_91, %mul3A_90 : i32
        %swap3A_93 = arith.index_cast %add3A_92 : i32 to index
        %swap3A_94 = tpu.vector_load %arg6[%swap3A_93] {strides = array<i32>} : memref<36864xf32, #tpu.memory_space<vmem>>, vector<16xf32>,
        tpu.vector_store %arg6[%swap3A_93], %gather3A_88 {strides = array<i32>} : memref<36864xf32, #tpu.memory_space<vmem>>, vector<16xf32>,
        %add3A_95 = arith.constant 5 : i32
        %add3A_96 = vector.broadcast %add3A_95 : i32 to vector<16xi32>
        %add3A_97 = arith.addi %mul3A_46, %add3A_96 : vector<16xi32>
        %gather3A_98 = tpu.vector_load_idx %arg7[%add3A_97] : memref<144xf32, #tpu.memory_space<vmem>>[vector<16xi32>], vector<16xf32>,
        %mul3A_99 = arith.constant 16 : i32
        %mul3A_100 = arith.muli %add3A_40, %mul3A_99 : i32
        %add3A_101 = arith.constant 20480 : i32
        %add3A_102 = arith.addi %add3A_101, %mul3A_100 : i32
        %swap3A_103 = arith.index_cast %add3A_102 : i32 to index
        %swap3A_104 = tpu.vector_load %arg6[%swap3A_103] {strides = array<i32>} : memref<36864xf32, #tpu.memory_space<vmem>>, vector<16xf32>,
        tpu.vector_store %arg6[%swap3A_103], %gather3A_98 {strides = array<i32>} : memref<36864xf32, #tpu.memory_space<vmem>>, vector<16xf32>,
        %add3A_105 = arith.constant 6 : i32
        %add3A_106 = vector.broadcast %add3A_105 : i32 to vector<16xi32>
        %add3A_107 = arith.addi %mul3A_46, %add3A_106 : vector<16xi32>
        %gather3A_108 = tpu.vector_load_idx %arg7[%add3A_107] : memref<144xf32, #tpu.memory_space<vmem>>[vector<16xi32>], vector<16xf32>,
        %mul3A_109 = arith.constant 16 : i32
        %mul3A_110 = arith.muli %add3A_40, %mul3A_109 : i32
        %add3A_111 = arith.constant 24576 : i32
        %add3A_112 = arith.addi %add3A_111, %mul3A_110 : i32
        %swap3A_113 = arith.index_cast %add3A_112 : i32 to index
        %swap3A_114 = tpu.vector_load %arg6[%swap3A_113] {strides = array<i32>} : memref<36864xf32, #tpu.memory_space<vmem>>, vector<16xf32>,
        tpu.vector_store %arg6[%swap3A_113], %gather3A_108 {strides = array<i32>} : memref<36864xf32, #tpu.memory_space<vmem>>, vector<16xf32>,
        %add3A_115 = arith.constant 7 : i32
        %add3A_116 = vector.broadcast %add3A_115 : i32 to vector<16xi32>
        %add3A_117 = arith.addi %mul3A_46, %add3A_116 : vector<16xi32>
        %gather3A_118 = tpu.vector_load_idx %arg7[%add3A_117] : memref<144xf32, #tpu.memory_space<vmem>>[vector<16xi32>], vector<16xf32>,
        %mul3A_119 = arith.constant 16 : i32
        %mul3A_120 = arith.muli %add3A_40, %mul3A_119 : i32
        %add3A_121 = arith.constant 28672 : i32
        %add3A_122 = arith.addi %add3A_121, %mul3A_120 : i32
        %swap3A_123 = arith.index_cast %add3A_122 : i32 to index
        %swap3A_124 = tpu.vector_load %arg6[%swap3A_123] {strides = array<i32>} : memref<36864xf32, #tpu.memory_space<vmem>>, vector<16xf32>,
        tpu.vector_store %arg6[%swap3A_123], %gather3A_118 {strides = array<i32>} : memref<36864xf32, #tpu.memory_space<vmem>>, vector<16xf32>,
        %add3A_125 = arith.constant 8 : i32
        %add3A_126 = vector.broadcast %add3A_125 : i32 to vector<16xi32>
        %add3A_127 = arith.addi %mul3A_46, %add3A_126 : vector<16xi32>
        %gather3A_128 = tpu.vector_load_idx %arg7[%add3A_127] : memref<144xf32, #tpu.memory_space<vmem>>[vector<16xi32>], vector<16xf32>,
        %mul3A_129 = arith.constant 16 : i32
        %mul3A_130 = arith.muli %add3A_40, %mul3A_129 : i32
        %add3A_131 = arith.constant 32768 : i32
        %add3A_132 = arith.addi %add3A_131, %mul3A_130 : i32
        %swap3A_133 = arith.index_cast %add3A_132 : i32 to index
        %swap3A_134 = tpu.vector_load %arg6[%swap3A_133] {strides = array<i32>} : memref<36864xf32, #tpu.memory_space<vmem>>, vector<16xf32>,
        tpu.vector_store %arg6[%swap3A_133], %gather3A_128 {strides = array<i32>} : memref<36864xf32, #tpu.memory_space<vmem>>, vector<16xf32>,
        %mul3A_135 = arith.constant 4 : i32
        %mul3A_136 = arith.muli %scan3A_36, %mul3A_135 : i32
        %add3A_137 = arith.constant 1 : i32
        %add3A_138 = arith.addi %mul3A_136, %add3A_137 : i32
        %mul3A_139 = arith.constant 16 : i32
        %mul3A_140 = arith.muli %add3A_138, %mul3A_139 : i32
        %get3A_141 = arith.index_cast %mul3A_140 : i32 to index
        %get3A_142 = tpu.vector_load %arg5[%get3A_141] {strides = array<i32>} : memref<4096xi32, #tpu.memory_space<vmem>>, vector<16xi32>,
        %mul3A_143 = arith.constant 9 : i32
        %mul3A_144 = vector.broadcast %mul3A_143 : i32 to vector<16xi32>
        %mul3A_145 = arith.muli %get3A_142, %mul3A_144 : vector<16xi32>
        %add3A_146 = arith.constant 0 : i32
        %add3A_147 = vector.broadcast %add3A_146 : i32 to vector<16xi32>
        %add3A_148 = arith.addi %mul3A_145, %add3A_147 : vector<16xi32>
        %gather3A_149 = tpu.vector_load_idx %arg7[%add3A_148] : memref<144xf32, #tpu.memory_space<vmem>>[vector<16xi32>], vector<16xf32>,
        %mul3A_150 = arith.constant 16 : i32
        %mul3A_151 = arith.muli %add3A_138, %mul3A_150 : i32
        %add3A_152 = arith.constant 0 : i32
        %add3A_153 = arith.addi %add3A_152, %mul3A_151 : i32
        %swap3A_154 = arith.index_cast %add3A_153 : i32 to index
        %swap3A_155 = tpu.vector_load %arg6[%swap3A_154] {strides = array<i32>} : memref<36864xf32, #tpu.memory_space<vmem>>, vector<16xf32>,
        tpu.vector_store %arg6[%swap3A_154], %gather3A_149 {strides = array<i32>} : memref<36864xf32, #tpu.memory_space<vmem>>, vector<16xf32>,
        %add3A_156 = arith.constant 1 : i32
        %add3A_157 = vector.broadcast %add3A_156 : i32 to vector<16xi32>
        %add3A_158 = arith.addi %mul3A_145, %add3A_157 : vector<16xi32>
        %gather3A_159 = tpu.vector_load_idx %arg7[%add3A_158] : memref<144xf32, #tpu.memory_space<vmem>>[vector<16xi32>], vector<16xf32>,
        %mul3A_160 = arith.constant 16 : i32
        %mul3A_161 = arith.muli %add3A_138, %mul3A_160 : i32
        %add3A_162 = arith.constant 4096 : i32
        %add3A_163 = arith.addi %add3A_162, %mul3A_161 : i32
        %swap3A_164 = arith.index_cast %add3A_163 : i32 to index
        %swap3A_165 = tpu.vector_load %arg6[%swap3A_164] {strides = array<i32>} : memref<36864xf32, #tpu.memory_space<vmem>>, vector<16xf32>,
        tpu.vector_store %arg6[%swap3A_164], %gather3A_159 {strides = array<i32>} : memref<36864xf32, #tpu.memory_space<vmem>>, vector<16xf32>,
        %add3A_166 = arith.constant 2 : i32
        %add3A_167 = vector.broadcast %add3A_166 : i32 to vector<16xi32>
        %add3A_168 = arith.addi %mul3A_145, %add3A_167 : vector<16xi32>
        %gather3A_169 = tpu.vector_load_idx %arg7[%add3A_168] : memref<144xf32, #tpu.memory_space<vmem>>[vector<16xi32>], vector<16xf32>,
        %mul3A_170 = arith.constant 16 : i32
        %mul3A_171 = arith.muli %add3A_138, %mul3A_170 : i32
        %add3A_172 = arith.constant 8192 : i32
        %add3A_173 = arith.addi %add3A_172, %mul3A_171 : i32
        %swap3A_174 = arith.index_cast %add3A_173 : i32 to index
        %swap3A_175 = tpu.vector_load %arg6[%swap3A_174] {strides = array<i32>} : memref<36864xf32, #tpu.memory_space<vmem>>, vector<16xf32>,
        tpu.vector_store %arg6[%swap3A_174], %gather3A_169 {strides = array<i32>} : memref<36864xf32, #tpu.memory_space<vmem>>, vector<16xf32>,
        %add3A_176 = arith.constant 3 : i32
        %add3A_177 = vector.broadcast %add3A_176 : i32 to vector<16xi32>
        %add3A_178 = arith.addi %mul3A_145, %add3A_177 : vector<16xi32>
        %gather3A_179 = tpu.vector_load_idx %arg7[%add3A_178] : memref<144xf32, #tpu.memory_space<vmem>>[vector<16xi32>], vector<16xf32>,
        %mul3A_180 = arith.constant 16 : i32
        %mul3A_181 = arith.muli %add3A_138, %mul3A_180 : i32
        %add3A_182 = arith.constant 12288 : i32
        %add3A_183 = arith.addi %add3A_182, %mul3A_181 : i32
        %swap3A_184 = arith.index_cast %add3A_183 : i32 to index
        %swap3A_185 = tpu.vector_load %arg6[%swap3A_184] {strides = array<i32>} : memref<36864xf32, #tpu.memory_space<vmem>>, vector<16xf32>,
        tpu.vector_store %arg6[%swap3A_184], %gather3A_179 {strides = array<i32>} : memref<36864xf32, #tpu.memory_space<vmem>>, vector<16xf32>,
        %add3A_186 = arith.constant 4 : i32
        %add3A_187 = vector.broadcast %add3A_186 : i32 to vector<16xi32>
        %add3A_188 = arith.addi %mul3A_145, %add3A_187 : vector<16xi32>
        %gather3A_189 = tpu.vector_load_idx %arg7[%add3A_188] : memref<144xf32, #tpu.memory_space<vmem>>[vector<16xi32>], vector<16xf32>,
        %mul3A_190 = arith.constant 16 : i32
        %mul3A_191 = arith.muli %add3A_138, %mul3A_190 : i32
        %add3A_192 = arith.constant 16384 : i32
        %add3A_193 = arith.addi %add3A_192, %mul3A_191 : i32
        %swap3A_194 = arith.index_cast %add3A_193 : i32 to index
        %swap3A_195 = tpu.vector_load %arg6[%swap3A_194] {strides = array<i32>} : memref<36864xf32, #tpu.memory_space<vmem>>, vector<16xf32>,
        tpu.vector_store %arg6[%swap3A_194], %gather3A_189 {strides = array<i32>} : memref<36864xf32, #tpu.memory_space<vmem>>, vector<16xf32>,
        %add3A_196 = arith.constant 5 : i32
        %add3A_197 = vector.broadcast %add3A_196 : i32 to vector<16xi32>
        %add3A_198 = arith.addi %mul3A_145, %add3A_197 : vector<16xi32>
        %gather3A_199 = tpu.vector_load_idx %arg7[%add3A_198] : memref<144xf32, #tpu.memory_space<vmem>>[vector<16xi32>], vector<16xf32>,
        %mul3A_200 = arith.constant 16 : i32
        %mul3A_201 = arith.muli %add3A_138, %mul3A_200 : i32
        %add3A_202 = arith.constant 20480 : i32
        %add3A_203 = arith.addi %add3A_202, %mul3A_201 : i32
        %swap3A_204 = arith.index_cast %add3A_203 : i32 to index
        %swap3A_205 = tpu.vector_load %arg6[%swap3A_204] {strides = array<i32>} : memref<36864xf32, #tpu.memory_space<vmem>>, vector<16xf32>,
        tpu.vector_store %arg6[%swap3A_204], %gather3A_199 {strides = array<i32>} : memref<36864xf32, #tpu.memory_space<vmem>>, vector<16xf32>,
        %add3A_206 = arith.constant 6 : i32
        %add3A_207 = vector.broadcast %add3A_206 : i32 to vector<16xi32>
        %add3A_208 = arith.addi %mul3A_145, %add3A_207 : vector<16xi32>
        %gather3A_209 = tpu.vector_load_idx %arg7[%add3A_208] : memref<144xf32, #tpu.memory_space<vmem>>[vector<16xi32>], vector<16xf32>,
        %mul3A_210 = arith.constant 16 : i32
        %mul3A_211 = arith.muli %add3A_138, %mul3A_210 : i32
        %add3A_212 = arith.constant 24576 : i32
        %add3A_213 = arith.addi %add3A_212, %mul3A_211 : i32
        %swap3A_214 = arith.index_cast %add3A_213 : i32 to index
        %swap3A_215 = tpu.vector_load %arg6[%swap3A_214] {strides = array<i32>} : memref<36864xf32, #tpu.memory_space<vmem>>, vector<16xf32>,
        tpu.vector_store %arg6[%swap3A_214], %gather3A_209 {strides = array<i32>} : memref<36864xf32, #tpu.memory_space<vmem>>, vector<16xf32>,
        %add3A_216 = arith.constant 7 : i32
        %add3A_217 = vector.broadcast %add3A_216 : i32 to vector<16xi32>
        %add3A_218 = arith.addi %mul3A_145, %add3A_217 : vector<16xi32>
        %gather3A_219 = tpu.vector_load_idx %arg7[%add3A_218] : memref<144xf32, #tpu.memory_space<vmem>>[vector<16xi32>], vector<16xf32>,
        %mul3A_220 = arith.constant 16 : i32
        %mul3A_221 = arith.muli %add3A_138, %mul3A_220 : i32
        %add3A_222 = arith.constant 28672 : i32
        %add3A_223 = arith.addi %add3A_222, %mul3A_221 : i32
        %swap3A_224 = arith.index_cast %add3A_223 : i32 to index
        %swap3A_225 = tpu.vector_load %arg6[%swap3A_224] {strides = array<i32>} : memref<36864xf32, #tpu.memory_space<vmem>>, vector<16xf32>,
        tpu.vector_store %arg6[%swap3A_224], %gather3A_219 {strides = array<i32>} : memref<36864xf32, #tpu.memory_space<vmem>>, vector<16xf32>,
        %add3A_226 = arith.constant 8 : i32
        %add3A_227 = vector.broadcast %add3A_226 : i32 to vector<16xi32>
        %add3A_228 = arith.addi %mul3A_145, %add3A_227 : vector<16xi32>
        %gather3A_229 = tpu.vector_load_idx %arg7[%add3A_228] : memref<144xf32, #tpu.memory_space<vmem>>[vector<16xi32>], vector<16xf32>,
        %mul3A_230 = arith.constant 16 : i32
        %mul3A_231 = arith.muli %add3A_138, %mul3A_230 : i32
        %add3A_232 = arith.constant 32768 : i32
        %add3A_233 = arith.addi %add3A_232, %mul3A_231 : i32
        %swap3A_234 = arith.index_cast %add3A_233 : i32 to index
        %swap3A_235 = tpu.vector_load %arg6[%swap3A_234] {strides = array<i32>} : memref<36864xf32, #tpu.memory_space<vmem>>, vector<16xf32>,
        tpu.vector_store %arg6[%swap3A_234], %gather3A_229 {strides = array<i32>} : memref<36864xf32, #tpu.memory_space<vmem>>, vector<16xf32>,
        %mul3A_236 = arith.constant 4 : i32
        %mul3A_237 = arith.muli %scan3A_36, %mul3A_236 : i32
        %add3A_238 = arith.constant 2 : i32
        %add3A_239 = arith.addi %mul3A_237, %add3A_238 : i32
        %mul3A_240 = arith.constant 16 : i32
        %mul3A_241 = arith.muli %add3A_239, %mul3A_240 : i32
        %get3A_242 = arith.index_cast %mul3A_241 : i32 to index
        %get3A_243 = tpu.vector_load %arg5[%get3A_242] {strides = array<i32>} : memref<4096xi32, #tpu.memory_space<vmem>>, vector<16xi32>,
        %mul3A_244 = arith.constant 9 : i32
        %mul3A_245 = vector.broadcast %mul3A_244 : i32 to vector<16xi32>
        %mul3A_246 = arith.muli %get3A_243, %mul3A_245 : vector<16xi32>
        %add3A_247 = arith.constant 0 : i32
        %add3A_248 = vector.broadcast %add3A_247 : i32 to vector<16xi32>
        %add3A_249 = arith.addi %mul3A_246, %add3A_248 : vector<16xi32>
        %gather3A_250 = tpu.vector_load_idx %arg7[%add3A_249] : memref<144xf32, #tpu.memory_space<vmem>>[vector<16xi32>], vector<16xf32>,
        %mul3A_251 = arith.constant 16 : i32
        %mul3A_252 = arith.muli %add3A_239, %mul3A_251 : i32
        %add3A_253 = arith.constant 0 : i32
        %add3A_254 = arith.addi %add3A_253, %mul3A_252 : i32
        %swap3A_255 = arith.index_cast %add3A_254 : i32 to index
        %swap3A_256 = tpu.vector_load %arg6[%swap3A_255] {strides = array<i32>} : memref<36864xf32, #tpu.memory_space<vmem>>, vector<16xf32>,
        tpu.vector_store %arg6[%swap3A_255], %gather3A_250 {strides = array<i32>} : memref<36864xf32, #tpu.memory_space<vmem>>, vector<16xf32>,
        %add3A_257 = arith.constant 1 : i32
        %add3A_258 = vector.broadcast %add3A_257 : i32 to vector<16xi32>
        %add3A_259 = arith.addi %mul3A_246, %add3A_258 : vector<16xi32>
        %gather3A_260 = tpu.vector_load_idx %arg7[%add3A_259] : memref<144xf32, #tpu.memory_space<vmem>>[vector<16xi32>], vector<16xf32>,
        %mul3A_261 = arith.constant 16 : i32
        %mul3A_262 = arith.muli %add3A_239, %mul3A_261 : i32
        %add3A_263 = arith.constant 4096 : i32
        %add3A_264 = arith.addi %add3A_263, %mul3A_262 : i32
        %swap3A_265 = arith.index_cast %add3A_264 : i32 to index
        %swap3A_266 = tpu.vector_load %arg6[%swap3A_265] {strides = array<i32>} : memref<36864xf32, #tpu.memory_space<vmem>>, vector<16xf32>,
        tpu.vector_store %arg6[%swap3A_265], %gather3A_260 {strides = array<i32>} : memref<36864xf32, #tpu.memory_space<vmem>>, vector<16xf32>,
        %add3A_267 = arith.constant 2 : i32
        %add3A_268 = vector.broadcast %add3A_267 : i32 to vector<16xi32>
        %add3A_269 = arith.addi %mul3A_246, %add3A_268 : vector<16xi32>
        %gather3A_270 = tpu.vector_load_idx %arg7[%add3A_269] : memref<144xf32, #tpu.memory_space<vmem>>[vector<16xi32>], vector<16xf32>,
        %mul3A_271 = arith.constant 16 : i32
        %mul3A_272 = arith.muli %add3A_239, %mul3A_271 : i32
        %add3A_273 = arith.constant 8192 : i32
        %add3A_274 = arith.addi %add3A_273, %mul3A_272 : i32
        %swap3A_275 = arith.index_cast %add3A_274 : i32 to index
        %swap3A_276 = tpu.vector_load %arg6[%swap3A_275] {strides = array<i32>} : memref<36864xf32, #tpu.memory_space<vmem>>, vector<16xf32>,
        tpu.vector_store %arg6[%swap3A_275], %gather3A_270 {strides = array<i32>} : memref<36864xf32, #tpu.memory_space<vmem>>, vector<16xf32>,
        %add3A_277 = arith.constant 3 : i32
        %add3A_278 = vector.broadcast %add3A_277 : i32 to vector<16xi32>
        %add3A_279 = arith.addi %mul3A_246, %add3A_278 : vector<16xi32>
        %gather3A_280 = tpu.vector_load_idx %arg7[%add3A_279] : memref<144xf32, #tpu.memory_space<vmem>>[vector<16xi32>], vector<16xf32>,
        %mul3A_281 = arith.constant 16 : i32
        %mul3A_282 = arith.muli %add3A_239, %mul3A_281 : i32
        %add3A_283 = arith.constant 12288 : i32
        %add3A_284 = arith.addi %add3A_283, %mul3A_282 : i32
        %swap3A_285 = arith.index_cast %add3A_284 : i32 to index
        %swap3A_286 = tpu.vector_load %arg6[%swap3A_285] {strides = array<i32>} : memref<36864xf32, #tpu.memory_space<vmem>>, vector<16xf32>,
        tpu.vector_store %arg6[%swap3A_285], %gather3A_280 {strides = array<i32>} : memref<36864xf32, #tpu.memory_space<vmem>>, vector<16xf32>,
        %add3A_287 = arith.constant 4 : i32
        %add3A_288 = vector.broadcast %add3A_287 : i32 to vector<16xi32>
        %add3A_289 = arith.addi %mul3A_246, %add3A_288 : vector<16xi32>
        %gather3A_290 = tpu.vector_load_idx %arg7[%add3A_289] : memref<144xf32, #tpu.memory_space<vmem>>[vector<16xi32>], vector<16xf32>,
        %mul3A_291 = arith.constant 16 : i32
        %mul3A_292 = arith.muli %add3A_239, %mul3A_291 : i32
        %add3A_293 = arith.constant 16384 : i32
        %add3A_294 = arith.addi %add3A_293, %mul3A_292 : i32
        %swap3A_295 = arith.index_cast %add3A_294 : i32 to index
        %swap3A_296 = tpu.vector_load %arg6[%swap3A_295] {strides = array<i32>} : memref<36864xf32, #tpu.memory_space<vmem>>, vector<16xf32>,
        tpu.vector_store %arg6[%swap3A_295], %gather3A_290 {strides = array<i32>} : memref<36864xf32, #tpu.memory_space<vmem>>, vector<16xf32>,
        %add3A_297 = arith.constant 5 : i32
        %add3A_298 = vector.broadcast %add3A_297 : i32 to vector<16xi32>
        %add3A_299 = arith.addi %mul3A_246, %add3A_298 : vector<16xi32>
        %gather3A_300 = tpu.vector_load_idx %arg7[%add3A_299] : memref<144xf32, #tpu.memory_space<vmem>>[vector<16xi32>], vector<16xf32>,
        %mul3A_301 = arith.constant 16 : i32
        %mul3A_302 = arith.muli %add3A_239, %mul3A_301 : i32
        %add3A_303 = arith.constant 20480 : i32
        %add3A_304 = arith.addi %add3A_303, %mul3A_302 : i32
        %swap3A_305 = arith.index_cast %add3A_304 : i32 to index
        %swap3A_306 = tpu.vector_load %arg6[%swap3A_305] {strides = array<i32>} : memref<36864xf32, #tpu.memory_space<vmem>>, vector<16xf32>,
        tpu.vector_store %arg6[%swap3A_305], %gather3A_300 {strides = array<i32>} : memref<36864xf32, #tpu.memory_space<vmem>>, vector<16xf32>,
        %add3A_307 = arith.constant 6 : i32
        %add3A_308 = vector.broadcast %add3A_307 : i32 to vector<16xi32>
        %add3A_309 = arith.addi %mul3A_246, %add3A_308 : vector<16xi32>
        %gather3A_310 = tpu.vector_load_idx %arg7[%add3A_309] : memref<144xf32, #tpu.memory_space<vmem>>[vector<16xi32>], vector<16xf32>,
        %mul3A_311 = arith.constant 16 : i32
        %mul3A_312 = arith.muli %add3A_239, %mul3A_311 : i32
        %add3A_313 = arith.constant 24576 : i32
        %add3A_314 = arith.addi %add3A_313, %mul3A_312 : i32
        %swap3A_315 = arith.index_cast %add3A_314 : i32 to index
        %swap3A_316 = tpu.vector_load %arg6[%swap3A_315] {strides = array<i32>} : memref<36864xf32, #tpu.memory_space<vmem>>, vector<16xf32>,
        tpu.vector_store %arg6[%swap3A_315], %gather3A_310 {strides = array<i32>} : memref<36864xf32, #tpu.memory_space<vmem>>, vector<16xf32>,
        %add3A_317 = arith.constant 7 : i32
        %add3A_318 = vector.broadcast %add3A_317 : i32 to vector<16xi32>
        %add3A_319 = arith.addi %mul3A_246, %add3A_318 : vector<16xi32>
        %gather3A_320 = tpu.vector_load_idx %arg7[%add3A_319] : memref<144xf32, #tpu.memory_space<vmem>>[vector<16xi32>], vector<16xf32>,
        %mul3A_321 = arith.constant 16 : i32
        %mul3A_322 = arith.muli %add3A_239, %mul3A_321 : i32
        %add3A_323 = arith.constant 28672 : i32
        %add3A_324 = arith.addi %add3A_323, %mul3A_322 : i32
        %swap3A_325 = arith.index_cast %add3A_324 : i32 to index
        %swap3A_326 = tpu.vector_load %arg6[%swap3A_325] {strides = array<i32>} : memref<36864xf32, #tpu.memory_space<vmem>>, vector<16xf32>,
        tpu.vector_store %arg6[%swap3A_325], %gather3A_320 {strides = array<i32>} : memref<36864xf32, #tpu.memory_space<vmem>>, vector<16xf32>,
        %add3A_327 = arith.constant 8 : i32
        %add3A_328 = vector.broadcast %add3A_327 : i32 to vector<16xi32>
        %add3A_329 = arith.addi %mul3A_246, %add3A_328 : vector<16xi32>
        %gather3A_330 = tpu.vector_load_idx %arg7[%add3A_329] : memref<144xf32, #tpu.memory_space<vmem>>[vector<16xi32>], vector<16xf32>,
        %mul3A_331 = arith.constant 16 : i32
        %mul3A_332 = arith.muli %add3A_239, %mul3A_331 : i32
        %add3A_333 = arith.constant 32768 : i32
        %add3A_334 = arith.addi %add3A_333, %mul3A_332 : i32
        %swap3A_335 = arith.index_cast %add3A_334 : i32 to index
        %swap3A_336 = tpu.vector_load %arg6[%swap3A_335] {strides = array<i32>} : memref<36864xf32, #tpu.memory_space<vmem>>, vector<16xf32>,
        tpu.vector_store %arg6[%swap3A_335], %gather3A_330 {strides = array<i32>} : memref<36864xf32, #tpu.memory_space<vmem>>, vector<16xf32>,
        %mul3A_337 = arith.constant 4 : i32
        %mul3A_338 = arith.muli %scan3A_36, %mul3A_337 : i32
        %add3A_339 = arith.constant 3 : i32
        %add3A_340 = arith.addi %mul3A_338, %add3A_339 : i32
        %mul3A_341 = arith.constant 16 : i32
        %mul3A_342 = arith.muli %add3A_340, %mul3A_341 : i32
        %get3A_343 = arith.index_cast %mul3A_342 : i32 to index
        %get3A_344 = tpu.vector_load %arg5[%get3A_343] {strides = array<i32>} : memref<4096xi32, #tpu.memory_space<vmem>>, vector<16xi32>,
        %mul3A_345 = arith.constant 9 : i32
        %mul3A_346 = vector.broadcast %mul3A_345 : i32 to vector<16xi32>
        %mul3A_347 = arith.muli %get3A_344, %mul3A_346 : vector<16xi32>
        %add3A_348 = arith.constant 0 : i32
        %add3A_349 = vector.broadcast %add3A_348 : i32 to vector<16xi32>
        %add3A_350 = arith.addi %mul3A_347, %add3A_349 : vector<16xi32>
        %gather3A_351 = tpu.vector_load_idx %arg7[%add3A_350] : memref<144xf32, #tpu.memory_space<vmem>>[vector<16xi32>], vector<16xf32>,
        %mul3A_352 = arith.constant 16 : i32
        %mul3A_353 = arith.muli %add3A_340, %mul3A_352 : i32
        %add3A_354 = arith.constant 0 : i32
        %add3A_355 = arith.addi %add3A_354, %mul3A_353 : i32
        %swap3A_356 = arith.index_cast %add3A_355 : i32 to index
        %swap3A_357 = tpu.vector_load %arg6[%swap3A_356] {strides = array<i32>} : memref<36864xf32, #tpu.memory_space<vmem>>, vector<16xf32>,
        tpu.vector_store %arg6[%swap3A_356], %gather3A_351 {strides = array<i32>} : memref<36864xf32, #tpu.memory_space<vmem>>, vector<16xf32>,
        %add3A_358 = arith.constant 1 : i32
        %add3A_359 = vector.broadcast %add3A_358 : i32 to vector<16xi32>
        %add3A_360 = arith.addi %mul3A_347, %add3A_359 : vector<16xi32>
        %gather3A_361 = tpu.vector_load_idx %arg7[%add3A_360] : memref<144xf32, #tpu.memory_space<vmem>>[vector<16xi32>], vector<16xf32>,
        %mul3A_362 = arith.constant 16 : i32
        %mul3A_363 = arith.muli %add3A_340, %mul3A_362 : i32
        %add3A_364 = arith.constant 4096 : i32
        %add3A_365 = arith.addi %add3A_364, %mul3A_363 : i32
        %swap3A_366 = arith.index_cast %add3A_365 : i32 to index
        %swap3A_367 = tpu.vector_load %arg6[%swap3A_366] {strides = array<i32>} : memref<36864xf32, #tpu.memory_space<vmem>>, vector<16xf32>,
        tpu.vector_store %arg6[%swap3A_366], %gather3A_361 {strides = array<i32>} : memref<36864xf32, #tpu.memory_space<vmem>>, vector<16xf32>,
        %add3A_368 = arith.constant 2 : i32
        %add3A_369 = vector.broadcast %add3A_368 : i32 to vector<16xi32>
        %add3A_370 = arith.addi %mul3A_347, %add3A_369 : vector<16xi32>
        %gather3A_371 = tpu.vector_load_idx %arg7[%add3A_370] : memref<144xf32, #tpu.memory_space<vmem>>[vector<16xi32>], vector<16xf32>,
        %mul3A_372 = arith.constant 16 : i32
        %mul3A_373 = arith.muli %add3A_340, %mul3A_372 : i32
        %add3A_374 = arith.constant 8192 : i32
        %add3A_375 = arith.addi %add3A_374, %mul3A_373 : i32
        %swap3A_376 = arith.index_cast %add3A_375 : i32 to index
        %swap3A_377 = tpu.vector_load %arg6[%swap3A_376] {strides = array<i32>} : memref<36864xf32, #tpu.memory_space<vmem>>, vector<16xf32>,
        tpu.vector_store %arg6[%swap3A_376], %gather3A_371 {strides = array<i32>} : memref<36864xf32, #tpu.memory_space<vmem>>, vector<16xf32>,
        %add3A_378 = arith.constant 3 : i32
        %add3A_379 = vector.broadcast %add3A_378 : i32 to vector<16xi32>
        %add3A_380 = arith.addi %mul3A_347, %add3A_379 : vector<16xi32>
        %gather3A_381 = tpu.vector_load_idx %arg7[%add3A_380] : memref<144xf32, #tpu.memory_space<vmem>>[vector<16xi32>], vector<16xf32>,
        %mul3A_382 = arith.constant 16 : i32
        %mul3A_383 = arith.muli %add3A_340, %mul3A_382 : i32
        %add3A_384 = arith.constant 12288 : i32
        %add3A_385 = arith.addi %add3A_384, %mul3A_383 : i32
        %swap3A_386 = arith.index_cast %add3A_385 : i32 to index
        %swap3A_387 = tpu.vector_load %arg6[%swap3A_386] {strides = array<i32>} : memref<36864xf32, #tpu.memory_space<vmem>>, vector<16xf32>,
        tpu.vector_store %arg6[%swap3A_386], %gather3A_381 {strides = array<i32>} : memref<36864xf32, #tpu.memory_space<vmem>>, vector<16xf32>,
        %add3A_388 = arith.constant 4 : i32
        %add3A_389 = vector.broadcast %add3A_388 : i32 to vector<16xi32>
        %add3A_390 = arith.addi %mul3A_347, %add3A_389 : vector<16xi32>
        %gather3A_391 = tpu.vector_load_idx %arg7[%add3A_390] : memref<144xf32, #tpu.memory_space<vmem>>[vector<16xi32>], vector<16xf32>,
        %mul3A_392 = arith.constant 16 : i32
        %mul3A_393 = arith.muli %add3A_340, %mul3A_392 : i32
        %add3A_394 = arith.constant 16384 : i32
        %add3A_395 = arith.addi %add3A_394, %mul3A_393 : i32
        %swap3A_396 = arith.index_cast %add3A_395 : i32 to index
        %swap3A_397 = tpu.vector_load %arg6[%swap3A_396] {strides = array<i32>} : memref<36864xf32, #tpu.memory_space<vmem>>, vector<16xf32>,
        tpu.vector_store %arg6[%swap3A_396], %gather3A_391 {strides = array<i32>} : memref<36864xf32, #tpu.memory_space<vmem>>, vector<16xf32>,
        %add3A_398 = arith.constant 5 : i32
        %add3A_399 = vector.broadcast %add3A_398 : i32 to vector<16xi32>
        %add3A_400 = arith.addi %mul3A_347, %add3A_399 : vector<16xi32>
        %gather3A_401 = tpu.vector_load_idx %arg7[%add3A_400] : memref<144xf32, #tpu.memory_space<vmem>>[vector<16xi32>], vector<16xf32>,
        %mul3A_402 = arith.constant 16 : i32
        %mul3A_403 = arith.muli %add3A_340, %mul3A_402 : i32
        %add3A_404 = arith.constant 20480 : i32
        %add3A_405 = arith.addi %add3A_404, %mul3A_403 : i32
        %swap3A_406 = arith.index_cast %add3A_405 : i32 to index
        %swap3A_407 = tpu.vector_load %arg6[%swap3A_406] {strides = array<i32>} : memref<36864xf32, #tpu.memory_space<vmem>>, vector<16xf32>,
        tpu.vector_store %arg6[%swap3A_406], %gather3A_401 {strides = array<i32>} : memref<36864xf32, #tpu.memory_space<vmem>>, vector<16xf32>,
        %add3A_408 = arith.constant 6 : i32
        %add3A_409 = vector.broadcast %add3A_408 : i32 to vector<16xi32>
        %add3A_410 = arith.addi %mul3A_347, %add3A_409 : vector<16xi32>
        %gather3A_411 = tpu.vector_load_idx %arg7[%add3A_410] : memref<144xf32, #tpu.memory_space<vmem>>[vector<16xi32>], vector<16xf32>,
        %mul3A_412 = arith.constant 16 : i32
        %mul3A_413 = arith.muli %add3A_340, %mul3A_412 : i32
        %add3A_414 = arith.constant 24576 : i32
        %add3A_415 = arith.addi %add3A_414, %mul3A_413 : i32
        %swap3A_416 = arith.index_cast %add3A_415 : i32 to index
        %swap3A_417 = tpu.vector_load %arg6[%swap3A_416] {strides = array<i32>} : memref<36864xf32, #tpu.memory_space<vmem>>, vector<16xf32>,
        tpu.vector_store %arg6[%swap3A_416], %gather3A_411 {strides = array<i32>} : memref<36864xf32, #tpu.memory_space<vmem>>, vector<16xf32>,
        %add3A_418 = arith.constant 7 : i32
        %add3A_419 = vector.broadcast %add3A_418 : i32 to vector<16xi32>
        %add3A_420 = arith.addi %mul3A_347, %add3A_419 : vector<16xi32>
        %gather3A_421 = tpu.vector_load_idx %arg7[%add3A_420] : memref<144xf32, #tpu.memory_space<vmem>>[vector<16xi32>], vector<16xf32>,
        %mul3A_422 = arith.constant 16 : i32
        %mul3A_423 = arith.muli %add3A_340, %mul3A_422 : i32
        %add3A_424 = arith.constant 28672 : i32
        %add3A_425 = arith.addi %add3A_424, %mul3A_423 : i32
        %swap3A_426 = arith.index_cast %add3A_425 : i32 to index
        %swap3A_427 = tpu.vector_load %arg6[%swap3A_426] {strides = array<i32>} : memref<36864xf32, #tpu.memory_space<vmem>>, vector<16xf32>,
        tpu.vector_store %arg6[%swap3A_426], %gather3A_421 {strides = array<i32>} : memref<36864xf32, #tpu.memory_space<vmem>>, vector<16xf32>,
        %add3A_428 = arith.constant 8 : i32
        %add3A_429 = vector.broadcast %add3A_428 : i32 to vector<16xi32>
        %add3A_430 = arith.addi %mul3A_347, %add3A_429 : vector<16xi32>
        %gather3A_431 = tpu.vector_load_idx %arg7[%add3A_430] : memref<144xf32, #tpu.memory_space<vmem>>[vector<16xi32>], vector<16xf32>,
        %mul3A_432 = arith.constant 16 : i32
        %mul3A_433 = arith.muli %add3A_340, %mul3A_432 : i32
        %add3A_434 = arith.constant 32768 : i32
        %add3A_435 = arith.addi %add3A_434, %mul3A_433 : i32
        %swap3A_436 = arith.index_cast %add3A_435 : i32 to index
        %swap3A_437 = tpu.vector_load %arg6[%swap3A_436] {strides = array<i32>} : memref<36864xf32, #tpu.memory_space<vmem>>, vector<16xf32>,
        tpu.vector_store %arg6[%swap3A_436], %gather3A_431 {strides = array<i32>} : memref<36864xf32, #tpu.memory_space<vmem>>, vector<16xf32>,
      }
      %scan3A_17 = arith.constant 64 : i32
      %add3A_18 = arith.constant 0 : i32
      %add3A_19 = arith.addi %add3A_18, %add3A_11 : i32
      "tpu.region"() ({
        %run_scoped3A = tpu.sem_alloc : memref<!tpu.dma_semaphore, #tpu.memory_space<semaphore_mem>>
        %dma_start3A = arith.constant 0 : i32
        %dma_start3A_36 = tpu.memref_slice %arg6[%dma_start3A] : memref<36864xf32, #tpu.memory_space<vmem>> -> memref<4096xf32, #tpu.memory_space<vmem>>
        %dma_start3A_37 = tpu.memref_slice %arg4[%add3A_19] : memref<9437184xf32, #tpu.memory_space<hbm>> -> memref<4096xf32, #tpu.memory_space<hbm>>
        %dma_start3A_38 = tpu.memref_slice %arg4[%add3A_19] : memref<9437184xf32, #tpu.memory_space<hbm>> -> memref<4096xf32, #tpu.memory_space<hbm>>
        %dma_start3A_39 = arith.constant 0 : i32
        %dma_start3A_40 = tpu.memref_slice %arg6[%dma_start3A_39] : memref<36864xf32, #tpu.memory_space<vmem>> -> memref<4096xf32, #tpu.memory_space<vmem>>
        tpu.enqueue_dma source(%dma_start3A_40 : memref<4096xf32, #tpu.memory_space<vmem>>) target(%dma_start3A_38 : memref<4096xf32, #tpu.memory_space<hbm>>) target_semaphore(%run_scoped3A : memref<!tpu.dma_semaphore, #tpu.memory_space<semaphore_mem>>)
        %dma_wait3A = arith.constant 0 : i32
        %dma_wait3A_41 = tpu.memref_slice %arg6[%dma_wait3A] : memref<36864xf32, #tpu.memory_space<vmem>> -> memref<4096xf32, #tpu.memory_space<vmem>>
        %dma_wait3A_42 = tpu.memref_slice %arg4[%add3A_19] : memref<9437184xf32, #tpu.memory_space<hbm>> -> memref<4096xf32, #tpu.memory_space<hbm>>
        %dma_wait3A_43 = tpu.memref_slice %arg4[%add3A_19] : memref<9437184xf32, #tpu.memory_space<hbm>> -> memref<4096xf32, #tpu.memory_space<hbm>>
        %dma_wait3A_44 = arith.constant 0 : i32
        %dma_wait3A_45 = tpu.memref_slice %arg6[%dma_wait3A_44] : memref<36864xf32, #tpu.memory_space<vmem>> -> memref<4096xf32, #tpu.memory_space<vmem>>
        tpu.wait_dma2 semaphore(%run_scoped3A : memref<!tpu.dma_semaphore, #tpu.memory_space<semaphore_mem>>) src(%dma_wait3A_45 : memref<4096xf32, #tpu.memory_space<vmem>>) dst(%dma_wait3A_43 : memref<4096xf32, #tpu.memory_space<hbm>>)
        tpu.yield
      }) : () -> ()
      %add3A_20 = arith.constant 1048576 : i32
      %add3A_21 = arith.addi %add3A_20, %add3A_11 : i32
      "tpu.region"() ({
        %run_scoped3A = tpu.sem_alloc : memref<!tpu.dma_semaphore, #tpu.memory_space<semaphore_mem>>
        %dma_start3A = arith.constant 4096 : i32
        %dma_start3A_36 = tpu.memref_slice %arg6[%dma_start3A] : memref<36864xf32, #tpu.memory_space<vmem>> -> memref<4096xf32, #tpu.memory_space<vmem>>
        %dma_start3A_37 = tpu.memref_slice %arg4[%add3A_21] : memref<9437184xf32, #tpu.memory_space<hbm>> -> memref<4096xf32, #tpu.memory_space<hbm>>
        %dma_start3A_38 = tpu.memref_slice %arg4[%add3A_21] : memref<9437184xf32, #tpu.memory_space<hbm>> -> memref<4096xf32, #tpu.memory_space<hbm>>
        %dma_start3A_39 = arith.constant 4096 : i32
        %dma_start3A_40 = tpu.memref_slice %arg6[%dma_start3A_39] : memref<36864xf32, #tpu.memory_space<vmem>> -> memref<4096xf32, #tpu.memory_space<vmem>>
        tpu.enqueue_dma source(%dma_start3A_40 : memref<4096xf32, #tpu.memory_space<vmem>>) target(%dma_start3A_38 : memref<4096xf32, #tpu.memory_space<hbm>>) target_semaphore(%run_scoped3A : memref<!tpu.dma_semaphore, #tpu.memory_space<semaphore_mem>>)
        %dma_wait3A = arith.constant 4096 : i32
        %dma_wait3A_41 = tpu.memref_slice %arg6[%dma_wait3A] : memref<36864xf32, #tpu.memory_space<vmem>> -> memref<4096xf32, #tpu.memory_space<vmem>>
        %dma_wait3A_42 = tpu.memref_slice %arg4[%add3A_21] : memref<9437184xf32, #tpu.memory_space<hbm>> -> memref<4096xf32, #tpu.memory_space<hbm>>
        %dma_wait3A_43 = tpu.memref_slice %arg4[%add3A_21] : memref<9437184xf32, #tpu.memory_space<hbm>> -> memref<4096xf32, #tpu.memory_space<hbm>>
        %dma_wait3A_44 = arith.constant 4096 : i32
        %dma_wait3A_45 = tpu.memref_slice %arg6[%dma_wait3A_44] : memref<36864xf32, #tpu.memory_space<vmem>> -> memref<4096xf32, #tpu.memory_space<vmem>>
        tpu.wait_dma2 semaphore(%run_scoped3A : memref<!tpu.dma_semaphore, #tpu.memory_space<semaphore_mem>>) src(%dma_wait3A_45 : memref<4096xf32, #tpu.memory_space<vmem>>) dst(%dma_wait3A_43 : memref<4096xf32, #tpu.memory_space<hbm>>)
        tpu.yield
      }) : () -> ()
      %add3A_22 = arith.constant 2097152 : i32
      %add3A_23 = arith.addi %add3A_22, %add3A_11 : i32
      "tpu.region"() ({
        %run_scoped3A = tpu.sem_alloc : memref<!tpu.dma_semaphore, #tpu.memory_space<semaphore_mem>>
        %dma_start3A = arith.constant 8192 : i32
        %dma_start3A_36 = tpu.memref_slice %arg6[%dma_start3A] : memref<36864xf32, #tpu.memory_space<vmem>> -> memref<4096xf32, #tpu.memory_space<vmem>>
        %dma_start3A_37 = tpu.memref_slice %arg4[%add3A_23] : memref<9437184xf32, #tpu.memory_space<hbm>> -> memref<4096xf32, #tpu.memory_space<hbm>>
        %dma_start3A_38 = tpu.memref_slice %arg4[%add3A_23] : memref<9437184xf32, #tpu.memory_space<hbm>> -> memref<4096xf32, #tpu.memory_space<hbm>>
        %dma_start3A_39 = arith.constant 8192 : i32
        %dma_start3A_40 = tpu.memref_slice %arg6[%dma_start3A_39] : memref<36864xf32, #tpu.memory_space<vmem>> -> memref<4096xf32, #tpu.memory_space<vmem>>
        tpu.enqueue_dma source(%dma_start3A_40 : memref<4096xf32, #tpu.memory_space<vmem>>) target(%dma_start3A_38 : memref<4096xf32, #tpu.memory_space<hbm>>) target_semaphore(%run_scoped3A : memref<!tpu.dma_semaphore, #tpu.memory_space<semaphore_mem>>)
        %dma_wait3A = arith.constant 8192 : i32
        %dma_wait3A_41 = tpu.memref_slice %arg6[%dma_wait3A] : memref<36864xf32, #tpu.memory_space<vmem>> -> memref<4096xf32, #tpu.memory_space<vmem>>
        %dma_wait3A_42 = tpu.memref_slice %arg4[%add3A_23] : memref<9437184xf32, #tpu.memory_space<hbm>> -> memref<4096xf32, #tpu.memory_space<hbm>>
        %dma_wait3A_43 = tpu.memref_slice %arg4[%add3A_23] : memref<9437184xf32, #tpu.memory_space<hbm>> -> memref<4096xf32, #tpu.memory_space<hbm>>
        %dma_wait3A_44 = arith.constant 8192 : i32
        %dma_wait3A_45 = tpu.memref_slice %arg6[%dma_wait3A_44] : memref<36864xf32, #tpu.memory_space<vmem>> -> memref<4096xf32, #tpu.memory_space<vmem>>
        tpu.wait_dma2 semaphore(%run_scoped3A : memref<!tpu.dma_semaphore, #tpu.memory_space<semaphore_mem>>) src(%dma_wait3A_45 : memref<4096xf32, #tpu.memory_space<vmem>>) dst(%dma_wait3A_43 : memref<4096xf32, #tpu.memory_space<hbm>>)
        tpu.yield
      }) : () -> ()
      %add3A_24 = arith.constant 3145728 : i32
      %add3A_25 = arith.addi %add3A_24, %add3A_11 : i32
      "tpu.region"() ({
        %run_scoped3A = tpu.sem_alloc : memref<!tpu.dma_semaphore, #tpu.memory_space<semaphore_mem>>
        %dma_start3A = arith.constant 12288 : i32
        %dma_start3A_36 = tpu.memref_slice %arg6[%dma_start3A] : memref<36864xf32, #tpu.memory_space<vmem>> -> memref<4096xf32, #tpu.memory_space<vmem>>
        %dma_start3A_37 = tpu.memref_slice %arg4[%add3A_25] : memref<9437184xf32, #tpu.memory_space<hbm>> -> memref<4096xf32, #tpu.memory_space<hbm>>
        %dma_start3A_38 = tpu.memref_slice %arg4[%add3A_25] : memref<9437184xf32, #tpu.memory_space<hbm>> -> memref<4096xf32, #tpu.memory_space<hbm>>
        %dma_start3A_39 = arith.constant 12288 : i32
        %dma_start3A_40 = tpu.memref_slice %arg6[%dma_start3A_39] : memref<36864xf32, #tpu.memory_space<vmem>> -> memref<4096xf32, #tpu.memory_space<vmem>>
        tpu.enqueue_dma source(%dma_start3A_40 : memref<4096xf32, #tpu.memory_space<vmem>>) target(%dma_start3A_38 : memref<4096xf32, #tpu.memory_space<hbm>>) target_semaphore(%run_scoped3A : memref<!tpu.dma_semaphore, #tpu.memory_space<semaphore_mem>>)
        %dma_wait3A = arith.constant 12288 : i32
        %dma_wait3A_41 = tpu.memref_slice %arg6[%dma_wait3A] : memref<36864xf32, #tpu.memory_space<vmem>> -> memref<4096xf32, #tpu.memory_space<vmem>>
        %dma_wait3A_42 = tpu.memref_slice %arg4[%add3A_25] : memref<9437184xf32, #tpu.memory_space<hbm>> -> memref<4096xf32, #tpu.memory_space<hbm>>
        %dma_wait3A_43 = tpu.memref_slice %arg4[%add3A_25] : memref<9437184xf32, #tpu.memory_space<hbm>> -> memref<4096xf32, #tpu.memory_space<hbm>>
        %dma_wait3A_44 = arith.constant 12288 : i32
        %dma_wait3A_45 = tpu.memref_slice %arg6[%dma_wait3A_44] : memref<36864xf32, #tpu.memory_space<vmem>> -> memref<4096xf32, #tpu.memory_space<vmem>>
        tpu.wait_dma2 semaphore(%run_scoped3A : memref<!tpu.dma_semaphore, #tpu.memory_space<semaphore_mem>>) src(%dma_wait3A_45 : memref<4096xf32, #tpu.memory_space<vmem>>) dst(%dma_wait3A_43 : memref<4096xf32, #tpu.memory_space<hbm>>)
        tpu.yield
      }) : () -> ()
      %add3A_26 = arith.constant 4194304 : i32
      %add3A_27 = arith.addi %add3A_26, %add3A_11 : i32
      "tpu.region"() ({
        %run_scoped3A = tpu.sem_alloc : memref<!tpu.dma_semaphore, #tpu.memory_space<semaphore_mem>>
        %dma_start3A = arith.constant 16384 : i32
        %dma_start3A_36 = tpu.memref_slice %arg6[%dma_start3A] : memref<36864xf32, #tpu.memory_space<vmem>> -> memref<4096xf32, #tpu.memory_space<vmem>>
        %dma_start3A_37 = tpu.memref_slice %arg4[%add3A_27] : memref<9437184xf32, #tpu.memory_space<hbm>> -> memref<4096xf32, #tpu.memory_space<hbm>>
        %dma_start3A_38 = tpu.memref_slice %arg4[%add3A_27] : memref<9437184xf32, #tpu.memory_space<hbm>> -> memref<4096xf32, #tpu.memory_space<hbm>>
        %dma_start3A_39 = arith.constant 16384 : i32
        %dma_start3A_40 = tpu.memref_slice %arg6[%dma_start3A_39] : memref<36864xf32, #tpu.memory_space<vmem>> -> memref<4096xf32, #tpu.memory_space<vmem>>
        tpu.enqueue_dma source(%dma_start3A_40 : memref<4096xf32, #tpu.memory_space<vmem>>) target(%dma_start3A_38 : memref<4096xf32, #tpu.memory_space<hbm>>) target_semaphore(%run_scoped3A : memref<!tpu.dma_semaphore, #tpu.memory_space<semaphore_mem>>)
        %dma_wait3A = arith.constant 16384 : i32
        %dma_wait3A_41 = tpu.memref_slice %arg6[%dma_wait3A] : memref<36864xf32, #tpu.memory_space<vmem>> -> memref<4096xf32, #tpu.memory_space<vmem>>
        %dma_wait3A_42 = tpu.memref_slice %arg4[%add3A_27] : memref<9437184xf32, #tpu.memory_space<hbm>> -> memref<4096xf32, #tpu.memory_space<hbm>>
        %dma_wait3A_43 = tpu.memref_slice %arg4[%add3A_27] : memref<9437184xf32, #tpu.memory_space<hbm>> -> memref<4096xf32, #tpu.memory_space<hbm>>
        %dma_wait3A_44 = arith.constant 16384 : i32
        %dma_wait3A_45 = tpu.memref_slice %arg6[%dma_wait3A_44] : memref<36864xf32, #tpu.memory_space<vmem>> -> memref<4096xf32, #tpu.memory_space<vmem>>
        tpu.wait_dma2 semaphore(%run_scoped3A : memref<!tpu.dma_semaphore, #tpu.memory_space<semaphore_mem>>) src(%dma_wait3A_45 : memref<4096xf32, #tpu.memory_space<vmem>>) dst(%dma_wait3A_43 : memref<4096xf32, #tpu.memory_space<hbm>>)
        tpu.yield
      }) : () -> ()
      %add3A_28 = arith.constant 5242880 : i32
      %add3A_29 = arith.addi %add3A_28, %add3A_11 : i32
      "tpu.region"() ({
        %run_scoped3A = tpu.sem_alloc : memref<!tpu.dma_semaphore, #tpu.memory_space<semaphore_mem>>
        %dma_start3A = arith.constant 20480 : i32
        %dma_start3A_36 = tpu.memref_slice %arg6[%dma_start3A] : memref<36864xf32, #tpu.memory_space<vmem>> -> memref<4096xf32, #tpu.memory_space<vmem>>
        %dma_start3A_37 = tpu.memref_slice %arg4[%add3A_29] : memref<9437184xf32, #tpu.memory_space<hbm>> -> memref<4096xf32, #tpu.memory_space<hbm>>
        %dma_start3A_38 = tpu.memref_slice %arg4[%add3A_29] : memref<9437184xf32, #tpu.memory_space<hbm>> -> memref<4096xf32, #tpu.memory_space<hbm>>
        %dma_start3A_39 = arith.constant 20480 : i32
        %dma_start3A_40 = tpu.memref_slice %arg6[%dma_start3A_39] : memref<36864xf32, #tpu.memory_space<vmem>> -> memref<4096xf32, #tpu.memory_space<vmem>>
        tpu.enqueue_dma source(%dma_start3A_40 : memref<4096xf32, #tpu.memory_space<vmem>>) target(%dma_start3A_38 : memref<4096xf32, #tpu.memory_space<hbm>>) target_semaphore(%run_scoped3A : memref<!tpu.dma_semaphore, #tpu.memory_space<semaphore_mem>>)
        %dma_wait3A = arith.constant 20480 : i32
        %dma_wait3A_41 = tpu.memref_slice %arg6[%dma_wait3A] : memref<36864xf32, #tpu.memory_space<vmem>> -> memref<4096xf32, #tpu.memory_space<vmem>>
        %dma_wait3A_42 = tpu.memref_slice %arg4[%add3A_29] : memref<9437184xf32, #tpu.memory_space<hbm>> -> memref<4096xf32, #tpu.memory_space<hbm>>
        %dma_wait3A_43 = tpu.memref_slice %arg4[%add3A_29] : memref<9437184xf32, #tpu.memory_space<hbm>> -> memref<4096xf32, #tpu.memory_space<hbm>>
        %dma_wait3A_44 = arith.constant 20480 : i32
        %dma_wait3A_45 = tpu.memref_slice %arg6[%dma_wait3A_44] : memref<36864xf32, #tpu.memory_space<vmem>> -> memref<4096xf32, #tpu.memory_space<vmem>>
        tpu.wait_dma2 semaphore(%run_scoped3A : memref<!tpu.dma_semaphore, #tpu.memory_space<semaphore_mem>>) src(%dma_wait3A_45 : memref<4096xf32, #tpu.memory_space<vmem>>) dst(%dma_wait3A_43 : memref<4096xf32, #tpu.memory_space<hbm>>)
        tpu.yield
      }) : () -> ()
      %add3A_30 = arith.constant 6291456 : i32
      %add3A_31 = arith.addi %add3A_30, %add3A_11 : i32
      "tpu.region"() ({
        %run_scoped3A = tpu.sem_alloc : memref<!tpu.dma_semaphore, #tpu.memory_space<semaphore_mem>>
        %dma_start3A = arith.constant 24576 : i32
        %dma_start3A_36 = tpu.memref_slice %arg6[%dma_start3A] : memref<36864xf32, #tpu.memory_space<vmem>> -> memref<4096xf32, #tpu.memory_space<vmem>>
        %dma_start3A_37 = tpu.memref_slice %arg4[%add3A_31] : memref<9437184xf32, #tpu.memory_space<hbm>> -> memref<4096xf32, #tpu.memory_space<hbm>>
        %dma_start3A_38 = tpu.memref_slice %arg4[%add3A_31] : memref<9437184xf32, #tpu.memory_space<hbm>> -> memref<4096xf32, #tpu.memory_space<hbm>>
        %dma_start3A_39 = arith.constant 24576 : i32
        %dma_start3A_40 = tpu.memref_slice %arg6[%dma_start3A_39] : memref<36864xf32, #tpu.memory_space<vmem>> -> memref<4096xf32, #tpu.memory_space<vmem>>
        tpu.enqueue_dma source(%dma_start3A_40 : memref<4096xf32, #tpu.memory_space<vmem>>) target(%dma_start3A_38 : memref<4096xf32, #tpu.memory_space<hbm>>) target_semaphore(%run_scoped3A : memref<!tpu.dma_semaphore, #tpu.memory_space<semaphore_mem>>)
        %dma_wait3A = arith.constant 24576 : i32
        %dma_wait3A_41 = tpu.memref_slice %arg6[%dma_wait3A] : memref<36864xf32, #tpu.memory_space<vmem>> -> memref<4096xf32, #tpu.memory_space<vmem>>
        %dma_wait3A_42 = tpu.memref_slice %arg4[%add3A_31] : memref<9437184xf32, #tpu.memory_space<hbm>> -> memref<4096xf32, #tpu.memory_space<hbm>>
        %dma_wait3A_43 = tpu.memref_slice %arg4[%add3A_31] : memref<9437184xf32, #tpu.memory_space<hbm>> -> memref<4096xf32, #tpu.memory_space<hbm>>
        %dma_wait3A_44 = arith.constant 24576 : i32
        %dma_wait3A_45 = tpu.memref_slice %arg6[%dma_wait3A_44] : memref<36864xf32, #tpu.memory_space<vmem>> -> memref<4096xf32, #tpu.memory_space<vmem>>
        tpu.wait_dma2 semaphore(%run_scoped3A : memref<!tpu.dma_semaphore, #tpu.memory_space<semaphore_mem>>) src(%dma_wait3A_45 : memref<4096xf32, #tpu.memory_space<vmem>>) dst(%dma_wait3A_43 : memref<4096xf32, #tpu.memory_space<hbm>>)
        tpu.yield
      }) : () -> ()
      %add3A_32 = arith.constant 7340032 : i32
      %add3A_33 = arith.addi %add3A_32, %add3A_11 : i32
      "tpu.region"() ({
        %run_scoped3A = tpu.sem_alloc : memref<!tpu.dma_semaphore, #tpu.memory_space<semaphore_mem>>
        %dma_start3A = arith.constant 28672 : i32
        %dma_start3A_36 = tpu.memref_slice %arg6[%dma_start3A] : memref<36864xf32, #tpu.memory_space<vmem>> -> memref<4096xf32, #tpu.memory_space<vmem>>
        %dma_start3A_37 = tpu.memref_slice %arg4[%add3A_33] : memref<9437184xf32, #tpu.memory_space<hbm>> -> memref<4096xf32, #tpu.memory_space<hbm>>
        %dma_start3A_38 = tpu.memref_slice %arg4[%add3A_33] : memref<9437184xf32, #tpu.memory_space<hbm>> -> memref<4096xf32, #tpu.memory_space<hbm>>
        %dma_start3A_39 = arith.constant 28672 : i32
        %dma_start3A_40 = tpu.memref_slice %arg6[%dma_start3A_39] : memref<36864xf32, #tpu.memory_space<vmem>> -> memref<4096xf32, #tpu.memory_space<vmem>>
        tpu.enqueue_dma source(%dma_start3A_40 : memref<4096xf32, #tpu.memory_space<vmem>>) target(%dma_start3A_38 : memref<4096xf32, #tpu.memory_space<hbm>>) target_semaphore(%run_scoped3A : memref<!tpu.dma_semaphore, #tpu.memory_space<semaphore_mem>>)
        %dma_wait3A = arith.constant 28672 : i32
        %dma_wait3A_41 = tpu.memref_slice %arg6[%dma_wait3A] : memref<36864xf32, #tpu.memory_space<vmem>> -> memref<4096xf32, #tpu.memory_space<vmem>>
        %dma_wait3A_42 = tpu.memref_slice %arg4[%add3A_33] : memref<9437184xf32, #tpu.memory_space<hbm>> -> memref<4096xf32, #tpu.memory_space<hbm>>
        %dma_wait3A_43 = tpu.memref_slice %arg4[%add3A_33] : memref<9437184xf32, #tpu.memory_space<hbm>> -> memref<4096xf32, #tpu.memory_space<hbm>>
        %dma_wait3A_44 = arith.constant 28672 : i32
        %dma_wait3A_45 = tpu.memref_slice %arg6[%dma_wait3A_44] : memref<36864xf32, #tpu.memory_space<vmem>> -> memref<4096xf32, #tpu.memory_space<vmem>>
        tpu.wait_dma2 semaphore(%run_scoped3A : memref<!tpu.dma_semaphore, #tpu.memory_space<semaphore_mem>>) src(%dma_wait3A_45 : memref<4096xf32, #tpu.memory_space<vmem>>) dst(%dma_wait3A_43 : memref<4096xf32, #tpu.memory_space<hbm>>)
        tpu.yield
      }) : () -> ()
      %add3A_34 = arith.constant 8388608 : i32
      %add3A_35 = arith.addi %add3A_34, %add3A_11 : i32
      "tpu.region"() ({
        %run_scoped3A = tpu.sem_alloc : memref<!tpu.dma_semaphore, #tpu.memory_space<semaphore_mem>>
        %dma_start3A = arith.constant 32768 : i32
        %dma_start3A_36 = tpu.memref_slice %arg6[%dma_start3A] : memref<36864xf32, #tpu.memory_space<vmem>> -> memref<4096xf32, #tpu.memory_space<vmem>>
        %dma_start3A_37 = tpu.memref_slice %arg4[%add3A_35] : memref<9437184xf32, #tpu.memory_space<hbm>> -> memref<4096xf32, #tpu.memory_space<hbm>>
        %dma_start3A_38 = tpu.memref_slice %arg4[%add3A_35] : memref<9437184xf32, #tpu.memory_space<hbm>> -> memref<4096xf32, #tpu.memory_space<hbm>>
        %dma_start3A_39 = arith.constant 32768 : i32
        %dma_start3A_40 = tpu.memref_slice %arg6[%dma_start3A_39] : memref<36864xf32, #tpu.memory_space<vmem>> -> memref<4096xf32, #tpu.memory_space<vmem>>
        tpu.enqueue_dma source(%dma_start3A_40 : memref<4096xf32, #tpu.memory_space<vmem>>) target(%dma_start3A_38 : memref<4096xf32, #tpu.memory_space<hbm>>) target_semaphore(%run_scoped3A : memref<!tpu.dma_semaphore, #tpu.memory_space<semaphore_mem>>)
        %dma_wait3A = arith.constant 32768 : i32
        %dma_wait3A_41 = tpu.memref_slice %arg6[%dma_wait3A] : memref<36864xf32, #tpu.memory_space<vmem>> -> memref<4096xf32, #tpu.memory_space<vmem>>
        %dma_wait3A_42 = tpu.memref_slice %arg4[%add3A_35] : memref<9437184xf32, #tpu.memory_space<hbm>> -> memref<4096xf32, #tpu.memory_space<hbm>>
        %dma_wait3A_43 = tpu.memref_slice %arg4[%add3A_35] : memref<9437184xf32, #tpu.memory_space<hbm>> -> memref<4096xf32, #tpu.memory_space<hbm>>
        %dma_wait3A_44 = arith.constant 32768 : i32
        %dma_wait3A_45 = tpu.memref_slice %arg6[%dma_wait3A_44] : memref<36864xf32, #tpu.memory_space<vmem>> -> memref<4096xf32, #tpu.memory_space<vmem>>
        tpu.wait_dma2 semaphore(%run_scoped3A : memref<!tpu.dma_semaphore, #tpu.memory_space<semaphore_mem>>) src(%dma_wait3A_45 : memref<4096xf32, #tpu.memory_space<vmem>>) dst(%dma_wait3A_43 : memref<4096xf32, #tpu.memory_space<hbm>>)
        tpu.yield
      }) : () -> ()
    }
    %scan3A_5 = arith.constant 8 : i32
    return
  }
}

</mosaic_0001>

<sc_bundles>
// kernel: kernel.3.cloned.1.call-start
scs
__scs_entry_jumppad:
0x0: {  	(pc) =	sbr.rel $0x88, $3  }
0x1: {  	(tag) =	ssettag $0x0;
	lr =	simm.s32 $0x1  }
0x2: {  	[smem:$0x3F9F] =	sst lr;
	_ =	strace $0xD0000000  }
0x3: {  	_ = 	snop  }
0x4: {  	_ = 	snop  }
0x5: {  	_ = 	snop  }
0x6: {  	_ = 	snop  }
0x7: {  	_ = 	snop  }
__scs_overlays_trampoline_lowered:
0x8: {  	[smem:$0x3FAE] =	sst s0  }
0x9: {  	[smem:$0x3FAF] =	sst s1  }
0xa: {  	[smem:$0x3FB0] =	sst s2  }
0xb: {  	[smem:$0x3FB1] =	sst s3  }
0xc: {  	[smem:$0x3FB2] =	sst s4  }
0xd: {  	[smem:$0x3FB3] =	sst s5  }
0xe: {  	[smem:$0x3FB4] =	sst s6  }
0xf: {  	[smem:$0x3FB5] =	sst s7  }
0x10: {  	[smem:$0x3FB6] =	sst s8  }
0x11: {  	[smem:$0x3FB7] =	sst s9;
	s0 =	simm.s32 @!p0 $0x0  }
0x12: {  	s1 =	sld [smem:$0x3F9D];
	s0 =	simm.s32 @p0 $0x1  }
0x13: {  	[smem:$0x3FB8] =	sst s0;
	s0 =	simm.s32 @!p1 $0x0  }
0x14: {  	s2 =	sld [smem:$0x3F9C];
	s0 =	simm.s32 @p1 $0x1  }
0x15: {  	[smem:$0x3FB9] =	sst s0;
	s0 =	simm.s32 @!p2 $0x0  }
0x16: {  	s3 =	sld [smem:$0x3FDB];
	s0 =	simm.s32 @p2 $0x1  }
0x17: {  	s4 =	simm.s32 $0x1BF5;
	[smem:$0x3FBB] =	sst s0  }
0x18: {  	s0 =	sld [smem:$0x3F9E];
	_ =	swait.ge [sflag:s4], $0x0  }
0x19: {  	s7 =	sld [smem:$0x3F9F]  }
0x1a: {  	s8 =	sadd.s32 $0xFFFFE003, lr  }
0x1b: {  	s9 =	sadd.s32 $0xFFFFFEF7, lr;
	s5 =	simm.s32 $0xFFFFFFFF;
	p2 =	slt.u32 s8, $0xFFFFF086  }
0x1c: {  	p1 =	slt.u32 s9, $0xF7A;
	s5 =	simm.s32 @!p2 $0x0  }
0x1d: {  	s5 =	simm.s32 @p1 $0x1;
	p0 =	seq.s32 s7, s2  }
0x1e: {  	s7 =	smul.u32 @!p0 $0xF7A, s2;
	p2 =	seq.s32 @!p0 s5, $0x0  }
0x1f: {  	s9 =	smul.u32 $0xF7A, s1;
	s8 =	simm.s32 @!p0 $0x1BF5;
	p2 =	por !p2, p0  }
0x20: {  	[sflag:s8] =	ssyncset.s32 @!p0 $0xFFFFF086;
	s6 =	sadd.s32 @!p0 s3, s7;
	s7 =	simm.s32 @!p0 $0x108  }
0x21: {  	s3 =	sadd.s32 s3, s9;
	s6 =	sadd.s32 @!p0 $0x88, s6;
	s7 =	simm.s32 @p2 $0x1082  }
0x22: {  	[simem:s7], [sflag:s8] =	dma.local @!p0 [hbm:s6], $0xF7A  }
0x23: {  	s9 =	sor.u32 $0xD0000000, s2;
	s6 =	simm.s32 $0x108;
	_ =	swait.ge @!p0 [sflag:s8], $0x0  }
0x24: {  	s3 =	sadd.s32 $0x88, s3;
	s6 =	simm.s32 @!p1 $0x1082;
	[sflag:s4] =	ssyncset.s32 $0xFFFFF086  }
0x25: {  	[simem:s6], [sflag:s4] =	dma.local [hbm:s3], $0xF7A  }
0x26: {  	[smem:$0x3F9F] =	sst s1;
	(tag) =	ssettag s2;
	_ =	strace s9  }
0x27: {  	s1 =	sld [smem:$0x3FAF]  }
0x28: {  	s2 =	sld [smem:$0x3FB0]  }
0x29: {  	s4 =	sld [smem:$0x3FB2]  }
0x2a: {  	p0 =	seq.s32 s5, $0x0;
	s5 =	sld [smem:$0x3FB3]  }
0x2b: {  	s6 =	sld [smem:$0x3FB4]  }
0x2c: {  	s7 =	sld [smem:$0x3FB5]  }
0x2d: {  	s3 =	simm.s32 $0x108;
	s8 =	sld [smem:$0x3FB6]  }
0x2e: {  	s3 =	simm.s32 @!p0 $0x1082;
	s9 =	sld [smem:$0x3FB7]  }
0x2f: {  	lr =	sadd.s32 s0, s3;
	s0 =	sld [smem:$0x3FAE]  }
0x30: {  	s3 =	sld [smem:$0x3FB1]  }
0x31: {  	[smem:$0x3FBA] =	sst s10  }
0x32: {  	s10 =	sld [smem:$0x3FB8];
	_ =	sdelay $0x3  }
0x33: {  	p0 =	seq.s32 s10, $0x1;
	s10 =	sld [smem:$0x3FBA];
	_ =	sdelay $0x3  }
0x34: {  	[smem:$0x3FBA] =	sst s10  }
0x35: {  	s10 =	sld [smem:$0x3FB9];
	_ =	sdelay $0x3  }
0x36: {  	p1 =	seq.s32 s10, $0x1;
	s10 =	sld [smem:$0x3FBA];
	_ =	sdelay $0x3  }
0x37: {  	[smem:$0x3FBA] =	sst s10  }
0x38: {  	s10 =	sld [smem:$0x3FBB]  }
0x39: {  	_ = 	snop;
	(pc) =	sbr.ind lr, $3  }
0x3a: {  	_ = 	snop  }
0x3b: {  	_ = 	snop  }
0x3c: {  	p2 =	seq.s32 s10, $0x1;
	s10 =	sld [smem:$0x3FBA]  }
0x3d: {  	_ =	shalt  }
0x3e: {  	_ =	shalt  }
0x3f: {  	_ =	shalt  }
0x40: {  	_ =	shalt  }
0x41: {  	_ =	shalt  }
0x42: {  	_ =	shalt  }
0x43: {  	_ =	shalt  }
0x44: {  	_ =	shalt  }
0x45: {  	_ =	shalt  }
0x46: {  	_ =	shalt  }
0x47: {  	_ =	shalt  }
0x48: {  	_ =	shalt  }
0x49: {  	_ =	shalt  }
0x4a: {  	_ =	shalt  }
0x4b: {  	_ =	shalt  }
0x4c: {  	_ =	shalt  }
0x4d: {  	_ =	shalt  }
0x4e: {  	_ =	shalt  }
0x4f: {  	_ =	shalt  }
0x50: {  	_ =	shalt  }
0x51: {  	_ =	shalt  }
0x52: {  	_ =	shalt  }
0x53: {  	_ =	shalt  }
0x54: {  	_ =	shalt  }
0x55: {  	_ =	shalt  }
0x56: {  	_ =	shalt  }
0x57: {  	_ =	shalt  }
0x58: {  	_ =	shalt  }
0x59: {  	_ =	shalt  }
0x5a: {  	_ =	shalt  }
0x5b: {  	_ =	shalt  }
0x5c: {  	_ =	shalt  }
0x5d: {  	_ =	shalt  }
0x5e: {  	_ =	shalt  }
0x5f: {  	_ =	shalt  }
0x60: {  	_ =	shalt  }
0x61: {  	_ =	shalt  }
0x62: {  	_ =	shalt  }
0x63: {  	_ =	shalt  }
0x64: {  	_ =	shalt  }
0x65: {  	_ =	shalt  }
0x66: {  	_ =	shalt  }
0x67: {  	_ =	shalt  }
0x68: {  	_ =	shalt  }
0x69: {  	_ =	shalt  }
0x6a: {  	_ =	shalt  }
0x6b: {  	_ =	shalt  }
0x6c: {  	_ =	shalt  }
0x6d: {  	_ =	shalt  }
0x6e: {  	_ =	shalt  }
0x6f: {  	_ =	shalt  }
0x70: {  	_ =	shalt  }
0x71: {  	_ =	shalt  }
0x72: {  	_ =	shalt  }
0x73: {  	_ =	shalt  }
0x74: {  	_ =	shalt  }
0x75: {  	_ =	shalt  }
0x76: {  	_ =	shalt  }
0x77: {  	_ =	shalt  }
0x78: {  	_ =	shalt  }
0x79: {  	_ =	shalt  }
0x7a: {  	_ =	shalt  }
0x7b: {  	_ =	shalt  }
0x7c: {  	_ =	shalt  }
0x7d: {  	_ =	shalt  }
0x7e: {  	_ =	shalt  }
0x7f: {  	_ =	shalt  }
0x80: {  	_ =	shalt  }
0x81: {  	_ =	shalt  }
0x82: {  	_ =	shalt  }
0x83: {  	_ =	shalt  }
0x84: {  	_ =	shalt  }
0x85: {  	_ =	shalt  }
0x86: {  	_ =	shalt  }
0x87: {  	_ =	shalt  }
.Lfunc_end0:
.L_simem_size_0:
called_computation_lowered:
.L_overlay_start_0:
0x88: {  	s2 =	sld [smem:$0x3FD9]  }
0x89: {  	s3 =	sld [smem:$0x3FFE];
	_ =	sdelay $0x1  }
0x8a: {  	s1 =	srdreg.scid  }
0x8b: {  	s0 =	sand.u32 $0x1, s1  }
0x8c: {  	s17 =	sshll.u32 s0, $0xA;
	s2 =	sadd.s32 s3, s2  }
0x8d: {  	s2 =	sadd.s32 s2, s17  }
0x8e: {  	[smem:$0x3FC6] =	sst s2  }
0x8f: {  	_ = 	snop  }
0x90: {  	s2 =	sld [smem:$0x3FC9]  }
0x91: {  	s18 =	sld [smem:$0x3FD0];
	(tm) =	ssettm $0x1  }
0x92: {  	s4 =	sld [smem:$0x3FFB];
	_ =	sdelay $0x3  }
0x93: {  	_ =	strace s4  }
0x94: {  	s4 =	sld [smem:$0x3FFC];
	_ =	sdelay $0x3  }
0x95: {  	_ =	strace s4  }
0x96: {  	s4 =	sld [smem:$0x3FFD];
	_ =	sdelay $0x3  }
0x97: {  	_ =	strace s4  }
0x98: {  	_ =	strace $0x8FFFFFFF  }
0x99: {  	s19 =	sld [smem:$0x3FDB];
	_ =	sdelay $0x1  }
0x9a: {  	s5 =	simm.s32 $_scs_section_size  }
0x9b: {  	s6 =	simm.s32 $_size__tile_overlayer_lowered;
	s7 =	simm.s32 $_tile_overlayer_lowered  }
0x9c: {  	s22 =	simm.s32 $0x1BFF;
	s21 =	sshll.u32 s7, $0x1;
	s4 =	sadd.s32 s5, s19  }
0x9d: {  	s8 =	simm.s32 $0x0;
	s20 =	sshll.u32 s6, $0x1;
	s6 =	sadd.s32 s21, s4  }
0x9e: {  	[timem:s8], [sflag:s22] =	dma.local [hbm:s6], s20  }
0x9f: {  	_ =	swait.ge [sflag:s22], s20  }
0xa0: {  	s5 =	ssub.s32 $0x0, s20;
	[sflag:s22] =	ssyncset.done $0x0  }
0xa1: {  	[sflag:s22] =	ssyncadd.s32 s5;
	_ =	sdelay $0x1  }
0xa2: {  	s23 =	simm.s32 $0x1B8B  }
0xa3: {  	_ =	swait.ge [sflag:s23], $0x1  }
0xa4: {  	[sflag:s23] =	ssyncset.done $0x0  }
0xa5: {  	s25 =	simm.s32 $0x1B8E;
	s24 =	sld [smem:$0x3FFE];
	[sflag:s23] =	ssyncadd.s32 $0xFFFFFFFF  }
0xa6: {  	s26 =	simm.s32 $execute0_lowered;
	[smem:$0x3FD2] =	sst s25  }
0xa7: {  	s6 =	sshll.u32 s26, $0x1;
	_ =	strace $0x80000046;
	[dreg:$0x1] =	wrdreg $0xFFFFFFFF  }
0xa8: {  	s28 =	simm.s32 $_size_execute0_lowered;
	s4 =	sadd.s32 s4, s6;
	[dreg:$0x0] =	wrdreg $0x0  }
0xa9: {  	s6 =	sshll.u32 s28, $0x1;
	[dreg:$0x2] =	wrdreg s4  }
0xaa: {  	[dreg:$0x3] =	wrdreg s6  }
0xab: {  	[dreg:$0x4] =	wrdreg $0xC0  }
0xac: {  	_ =	task [dreg:s8], $0x5FFFF  }
0xad: {  	[dreg:$0x1] =	wrdreg $0xFFFFFFFF  }
0xae: {  	[dreg:$0x0] =	wrdreg $0x60  }
0xaf: {  	[dreg:$0x2] =	wrdreg s2  }
0xb0: {  	[dreg:$0x3] =	wrdreg s18  }
0xb1: {  	[dreg:$0x4] =	wrdreg s24  }
0xb2: {  	[dreg:$0x5] =	wrdreg $0x9  }
0xb3: {  	_ =	task.clear_ibuf [dreg:s8], $0x6FFFF;
	_ =	strace $0x90000046  }
0xb4: {  	s29 =	simm.s32 $0x9;
	_ =	strace $0x80000048  }
0xb5: {  	_ =	swait.ge [sflag:s29], $0x1  }
0xb6: {  	[sflag:s29] =	ssyncadd.s32 $0xFFFFFFFF  }
0xb7: {  	_ =	strace $0x90000048  }
0xb8: {  	_ =	sfence  }
0xb9: {  	s30 =	sld [smem:$0x0];
	_ =	sdelay $0x2  }
0xba: {  	s31 =	sshll.u32 s1, $0xD;
	s1 =	sshrl.u32 s1, $0x2  }
0xbb: {  	s3 =	sand.u32 $0x4000, s31;
	s1 =	sadd.s32 s1, s30  }
0xbc: {  	s0 =	sor.u32 s3, s0;
	s1 =	sshll.u32 s1, $0x11  }
0xbd: {  	s0 =	sor.u32 s1, s0  }
0xbe: {  	s0 =	sadd.s32 $0x8F2B, s0  }
0xbf: {  	[sflag:s0] =	ssyncadd.remote.s32 $0x1  }
0xc0: {  	_ =	sfence.sel $0xFFFF  }
0xc1: {  	[dreg:$0x0] =	wrdreg $0xFFFFFFFF;
	(pc) =	sbr.abs _section_cstart, $3  }
0xc2: {  	[dreg:$0x1] =	wrdreg $0xFFFFFFFF  }
0xc3: {  	_ =	task.clear_ibuf [dreg:s8], $0x2FFFF;
	_ =	strace $0x9FFFFFFF  }
0xc4: {  	(tm) =	ssettm $0x7FFFFFFF  }
0xc5: {  	_ =	shalt  }
tec
execute0_lowered:
.L_overlay_start_1:
0x0: {  	(tag) =	ssettag $0x1  }
0x1: {  	s1 =	rddreg [dreg:$0x0]  }
0x2: {  	s2 =	rddreg [dreg:$0x1]  }
0x3: {  	s0 =	rddreg [dreg:$0x2];
	s3 =	simm.s32 $0x0  }
0x4: {  	s4 =	srdreg.scid;
	s5 =	stileid.u32;
	s16 =	simm.s32 $0xA000  }
0x5: {  	s17 =	simm.s32 $0x1;
	s18 =	simm.s32 $0x1000;
	s19 =	simm.s32 $0x2000  }
0x6: {  	s20 =	simm.s32 $0x3000;
	s21 =	simm.s32 $0x4000;
	s22 =	simm.s32 $0x5000  }
0x7: {  	s23 =	simm.s32 $0x6000;
	s24 =	simm.s32 $0x7000;
	s25 =	simm.s32 $0x8000  }
0x8: {  	s26 =	simm.s32 $0x9000;
	s28 =	simm.s32 $0x0;
	[smem:$0x7FF] =	sst s3  }
0x9: {  	s4 =	sand.u32 $0x1, s4;
	s8 =	sshll.u32 s5, $0xD;
	s5 =	sadd.s32 $0x400, s0  }
0xa: {  	s9 =	sadd.s32 $0x60400, s0;
	s10 =	sadd.s32 $0x80400, s0;
	s11 =	sadd.s32 $0xA0400, s0  }
0xb: {  	s12 =	sadd.s32 $0xC0400, s0;
	s13 =	sadd.s32 $0xE0400, s0;
	s6 =	ssub.s32 $0x2, s4  }
0xc: {  	s14 =	sadd.s32 $0x100400, s0;
	s4 =	sshll.u32 s4, $0xC;
	s7 =	sshrl.u32 s6, $0x1  }
0xd: {  	_ =	strace $0x80000047;
	s15 =	ssub.s32 s6, s7;
	s6 =	sor.u32 s4, s8  }
0xe: {  	s7 =	sadd.s32 $0x20400, s0;
	s8 =	sadd.s32 $0x40400, s0;
	s15 =	smax.u32 s15, $0x1  }
.LBB2_1:
0xf: {  	[tilespmem:s16], [sflag:$0x1] =	stream.linear.gather [hbm4b:s2+s3], $0x90, $0x38;
	[tilespmem:$0xA090] =	vst v63  }
0x10: {  	_ =	swait.ge [sflag:s17], $0x90  }
0x11: {  	[sflag:s17] =	ssyncset.done $0x0  }
0x12: {  	s29 =	simm.s32 $0x0;
	[sflag:s17] =	ssyncadd.s32 $0xFFFFFF70  }
.LBB2_2:
0x13: {  	s0 =	sshll.u32 s29, $0x9  }
0x14: {  	s30 =	sadd.s32 s6, s0  }
0x15: {  	s4 =	simm.s32 $0x0;
	s0 =	sadd.s32 s1, s30  }
0x16: {  	[tilespmem:s4], [sflag:$0x1] =	stream.linear.gather [hbm4b:s0+s4], $0x1000, $0x38;
	[tilespmem:$0xA090] =	vst v63  }
0x17: {  	_ =	swait.ge [sflag:s17], $0x1000  }
0x18: {  	[sflag:s17] =	ssyncset.done $0x0  }
0x19: {  	s31 =	simm.s32 $0x0;
	[sflag:s17] =	ssyncadd.s32 $0xFFFFF000  }
0x1a: {  	v0 =	vld [tilespmem:s31+$0x0];
	_ =	sdelay $0x4  }
0x1b: {  	v0 =	vmul.u32 $0x9, v0;
	_ =	sdelay $0x5  }
0x1c: {  	v1 =	vld.idx.msk [tilespmem:v0+s16+$0x0], $0xffff  }
0x1d: {  	v2 =	vadd.s32 $0x1, v0;
	_ =	sdelay $0x3  }
0x1e: {  	[tilespmem:s31+$0x1000] =	vst v1  }
0x1f: {  	v1 =	vld.idx.msk [tilespmem:v2+s16+$0x0], $0xffff  }
0x20: {  	v2 =	vadd.s32 $0x2, v0;
	_ =	sdelay $0x3  }
0x21: {  	[tilespmem:s31+$0x2000] =	vst v1  }
0x22: {  	v1 =	vld.idx.msk [tilespmem:v2+s16+$0x0], $0xffff  }
0x23: {  	v2 =	vadd.s32 $0x3, v0;
	_ =	sdelay $0x3  }
0x24: {  	[tilespmem:s31+$0x3000] =	vst v1  }
0x25: {  	v1 =	vld.idx.msk [tilespmem:v2+s16+$0x0], $0xffff  }
0x26: {  	v2 =	vadd.s32 $0x4, v0;
	_ =	sdelay $0x3  }
0x27: {  	[tilespmem:s31+$0x4000] =	vst v1  }
0x28: {  	v1 =	vld.idx.msk [tilespmem:v2+s16+$0x0], $0xffff  }
0x29: {  	v2 =	vadd.s32 $0x5, v0;
	_ =	sdelay $0x3  }
0x2a: {  	[tilespmem:s31+$0x5000] =	vst v1  }
0x2b: {  	v1 =	vld.idx.msk [tilespmem:v2+s16+$0x0], $0xffff  }
0x2c: {  	v2 =	vadd.s32 $0x6, v0;
	_ =	sdelay $0x3  }
0x2d: {  	[tilespmem:s31+$0x6000] =	vst v1  }
0x2e: {  	v1 =	vld.idx.msk [tilespmem:v2+s16+$0x0], $0xffff  }
0x2f: {  	v2 =	vadd.s32 $0x7, v0;
	_ =	sdelay $0x3  }
0x30: {  	[tilespmem:s31+$0x7000] =	vst v1  }
0x31: {  	v1 =	vld.idx.msk [tilespmem:v2+s16+$0x0], $0xffff  }
0x32: {  	v0 =	vadd.s32 $0x8, v0;
	v2 =	vld [tilespmem:s31+$0x10];
	_ =	sdelay $0x3  }
0x33: {  	[tilespmem:s31+$0x8000] =	vst v1  }
0x34: {  	v1 =	vmul.u32 $0x9, v2;
	v0 =	vld.idx.msk [tilespmem:v0+s16+$0x0], $0xffff;
	_ =	sdelay $0x4  }
0x35: {  	[tilespmem:s31+$0x9000] =	vst v0  }
0x36: {  	v0 =	vld.idx.msk [tilespmem:v1+s16+$0x0], $0xffff  }
0x37: {  	v2 =	vadd.s32 $0x1, v1;
	_ =	sdelay $0x3  }
0x38: {  	[tilespmem:s31+$0x1010] =	vst v0  }
0x39: {  	v0 =	vld.idx.msk [tilespmem:v2+s16+$0x0], $0xffff  }
0x3a: {  	v2 =	vadd.s32 $0x2, v1;
	_ =	sdelay $0x3  }
0x3b: {  	[tilespmem:s31+$0x2010] =	vst v0  }
0x3c: {  	v0 =	vld.idx.msk [tilespmem:v2+s16+$0x0], $0xffff  }
0x3d: {  	v2 =	vadd.s32 $0x3, v1;
	_ =	sdelay $0x3  }
0x3e: {  	[tilespmem:s31+$0x3010] =	vst v0  }
0x3f: {  	v0 =	vld.idx.msk [tilespmem:v2+s16+$0x0], $0xffff  }
0x40: {  	v2 =	vadd.s32 $0x4, v1;
	_ =	sdelay $0x3  }
0x41: {  	[tilespmem:s31+$0x4010] =	vst v0  }
0x42: {  	v0 =	vld.idx.msk [tilespmem:v2+s16+$0x0], $0xffff  }
0x43: {  	v2 =	vadd.s32 $0x5, v1;
	_ =	sdelay $0x3  }
0x44: {  	[tilespmem:s31+$0x5010] =	vst v0  }
0x45: {  	v0 =	vld.idx.msk [tilespmem:v2+s16+$0x0], $0xffff  }
0x46: {  	v2 =	vadd.s32 $0x6, v1;
	_ =	sdelay $0x3  }
0x47: {  	[tilespmem:s31+$0x6010] =	vst v0  }
0x48: {  	v0 =	vld.idx.msk [tilespmem:v2+s16+$0x0], $0xffff  }
0x49: {  	v2 =	vadd.s32 $0x7, v1;
	_ =	sdelay $0x3  }
0x4a: {  	[tilespmem:s31+$0x7010] =	vst v0  }
0x4b: {  	v0 =	vld.idx.msk [tilespmem:v2+s16+$0x0], $0xffff  }
0x4c: {  	v1 =	vadd.s32 $0x8, v1;
	v2 =	vld [tilespmem:s31+$0x20];
	_ =	sdelay $0x3  }
0x4d: {  	[tilespmem:s31+$0x8010] =	vst v0  }
0x4e: {  	v0 =	vld.idx.msk [tilespmem:v1+s16+$0x0], $0xffff;
	v1 =	vmul.u32 $0x9, v2;
	_ =	sdelay $0x4  }
0x4f: {  	[tilespmem:s31+$0x9010] =	vst v0  }
0x50: {  	v0 =	vld.idx.msk [tilespmem:v1+s16+$0x0], $0xffff  }
0x51: {  	v2 =	vadd.s32 $0x1, v1;
	_ =	sdelay $0x3  }
0x52: {  	[tilespmem:s31+$0x1020] =	vst v0  }
0x53: {  	v0 =	vld.idx.msk [tilespmem:v2+s16+$0x0], $0xffff  }
0x54: {  	v2 =	vadd.s32 $0x2, v1;
	_ =	sdelay $0x3  }
0x55: {  	[tilespmem:s31+$0x2020] =	vst v0  }
0x56: {  	v0 =	vld.idx.msk [tilespmem:v2+s16+$0x0], $0xffff  }
0x57: {  	v2 =	vadd.s32 $0x3, v1;
	_ =	sdelay $0x3  }
0x58: {  	[tilespmem:s31+$0x3020] =	vst v0  }
0x59: {  	v0 =	vld.idx.msk [tilespmem:v2+s16+$0x0], $0xffff  }
0x5a: {  	v2 =	vadd.s32 $0x4, v1;
	_ =	sdelay $0x3  }
0x5b: {  	[tilespmem:s31+$0x4020] =	vst v0  }
0x5c: {  	v0 =	vld.idx.msk [tilespmem:v2+s16+$0x0], $0xffff  }
0x5d: {  	v2 =	vadd.s32 $0x5, v1;
	_ =	sdelay $0x3  }
0x5e: {  	[tilespmem:s31+$0x5020] =	vst v0  }
0x5f: {  	v0 =	vld.idx.msk [tilespmem:v2+s16+$0x0], $0xffff  }
0x60: {  	v2 =	vadd.s32 $0x6, v1;
	_ =	sdelay $0x3  }
0x61: {  	[tilespmem:s31+$0x6020] =	vst v0  }
0x62: {  	v0 =	vld.idx.msk [tilespmem:v2+s16+$0x0], $0xffff  }
0x63: {  	v2 =	vadd.s32 $0x7, v1;
	_ =	sdelay $0x3  }
0x64: {  	[tilespmem:s31+$0x7020] =	vst v0  }
0x65: {  	v0 =	vld.idx.msk [tilespmem:v2+s16+$0x0], $0xffff  }
0x66: {  	v1 =	vadd.s32 $0x8, v1;
	v2 =	vld [tilespmem:s31+$0x30];
	_ =	sdelay $0x3  }
0x67: {  	[tilespmem:s31+$0x8020] =	vst v0  }
0x68: {  	v0 =	vld.idx.msk [tilespmem:v1+s16+$0x0], $0xffff;
	v1 =	vmul.u32 $0x9, v2;
	_ =	sdelay $0x4  }
0x69: {  	[tilespmem:s31+$0x9020] =	vst v0  }
0x6a: {  	v0 =	vld.idx.msk [tilespmem:v1+s16+$0x0], $0xffff  }
0x6b: {  	v2 =	vadd.s32 $0x1, v1;
	_ =	sdelay $0x3  }
0x6c: {  	[tilespmem:s31+$0x1030] =	vst v0  }
0x6d: {  	v0 =	vld.idx.msk [tilespmem:v2+s16+$0x0], $0xffff  }
0x6e: {  	v2 =	vadd.s32 $0x2, v1;
	_ =	sdelay $0x3  }
0x6f: {  	[tilespmem:s31+$0x2030] =	vst v0  }
0x70: {  	v0 =	vld.idx.msk [tilespmem:v2+s16+$0x0], $0xffff  }
0x71: {  	v2 =	vadd.s32 $0x3, v1;
	_ =	sdelay $0x3  }
0x72: {  	[tilespmem:s31+$0x3030] =	vst v0  }
0x73: {  	v0 =	vld.idx.msk [tilespmem:v2+s16+$0x0], $0xffff  }
0x74: {  	v2 =	vadd.s32 $0x4, v1;
	_ =	sdelay $0x3  }
0x75: {  	[tilespmem:s31+$0x4030] =	vst v0  }
0x76: {  	v0 =	vld.idx.msk [tilespmem:v2+s16+$0x0], $0xffff  }
0x77: {  	v2 =	vadd.s32 $0x5, v1;
	_ =	sdelay $0x3  }
0x78: {  	[tilespmem:s31+$0x5030] =	vst v0  }
0x79: {  	v0 =	vld.idx.msk [tilespmem:v2+s16+$0x0], $0xffff  }
0x7a: {  	v2 =	vadd.s32 $0x6, v1;
	_ =	sdelay $0x3  }
0x7b: {  	[tilespmem:s31+$0x6030] =	vst v0  }
0x7c: {  	v0 =	vld.idx.msk [tilespmem:v2+s16+$0x0], $0xffff  }
0x7d: {  	v2 =	vadd.s32 $0x7, v1;
	_ =	sdelay $0x3  }
0x7e: {  	[tilespmem:s31+$0x7030] =	vst v0  }
0x7f: {  	v0 =	vld.idx.msk [tilespmem:v2+s16+$0x0], $0xffff  }
0x80: {  	s4 =	simm.s32 $0x40;
	s0 =	simm.s32 $0x200;
	v1 =	vadd.s32 $0x8, v1  }
.LBB2_3:
0x81: {  	p0 =	sne.s32 s0, $0x3F00;
	v2 =	vld [tilespmem:s4+$0x0];
	_ =	sdelay $0x2  }
0x82: {  	[tilespmem:s31+$0x8030] =	vst v0  }
0x83: {  	v0 =	vld.idx.msk [tilespmem:v1+s16+$0x0], $0xffff  }
0x84: {  	v1 =	vmul.u32 $0x9, v2;
	_ =	sdelay $0x4  }
0x85: {  	[tilespmem:s31+$0x9030] =	vst v0;
	s31 =	smov.u32 s4  }
0x86: {  	v0 =	vld.idx.msk [tilespmem:v1+s16+$0x0], $0xffff;
	_ =	sdelay $0x1  }
0x87: {  	v2 =	vadd.s32 $0x1, v1;
	_ =	sdelay $0x3  }
0x88: {  	[tilespmem:s31+$0x1000] =	vst v0  }
0x89: {  	v0 =	vld.idx.msk [tilespmem:v2+s16+$0x0], $0xffff;
	_ =	sdelay $0x1  }
0x8a: {  	v2 =	vadd.s32 $0x2, v1;
	_ =	sdelay $0x3  }
0x8b: {  	[tilespmem:s31+$0x2000] =	vst v0  }
0x8c: {  	v0 =	vld.idx.msk [tilespmem:v2+s16+$0x0], $0xffff;
	_ =	sdelay $0x1  }
0x8d: {  	v2 =	vadd.s32 $0x3, v1;
	_ =	sdelay $0x3  }
0x8e: {  	[tilespmem:s31+$0x3000] =	vst v0  }
0x8f: {  	v0 =	vld.idx.msk [tilespmem:v2+s16+$0x0], $0xffff;
	_ =	sdelay $0x1  }
0x90: {  	v2 =	vadd.s32 $0x4, v1;
	_ =	sdelay $0x3  }
0x91: {  	[tilespmem:s31+$0x4000] =	vst v0  }
0x92: {  	v0 =	vld.idx.msk [tilespmem:v2+s16+$0x0], $0xffff;
	_ =	sdelay $0x1  }
0x93: {  	v2 =	vadd.s32 $0x5, v1;
	_ =	sdelay $0x3  }
0x94: {  	[tilespmem:s31+$0x5000] =	vst v0  }
0x95: {  	v0 =	vld.idx.msk [tilespmem:v2+s16+$0x0], $0xffff;
	_ =	sdelay $0x1  }
0x96: {  	v2 =	vadd.s32 $0x6, v1;
	_ =	sdelay $0x3  }
0x97: {  	[tilespmem:s31+$0x6000] =	vst v0  }
0x98: {  	v0 =	vld.idx.msk [tilespmem:v2+s16+$0x0], $0xffff;
	_ =	sdelay $0x1  }
0x99: {  	v2 =	vadd.s32 $0x7, v1;
	_ =	sdelay $0x3  }
0x9a: {  	[tilespmem:s31+$0x7000] =	vst v0  }
0x9b: {  	v0 =	vld.idx.msk [tilespmem:v2+s16+$0x0], $0xffff;
	_ =	sdelay $0x1  }
0x9c: {  	v1 =	vadd.s32 $0x8, v1  }
0x9d: {  	v2 =	vld [tilespmem:s31+$0x10];
	_ =	sdelay $0x2  }
0x9e: {  	[tilespmem:s31+$0x8000] =	vst v0  }
0x9f: {  	v0 =	vld.idx.msk [tilespmem:v1+s16+$0x0], $0xffff  }
0xa0: {  	v1 =	vmul.u32 $0x9, v2;
	_ =	sdelay $0x4  }
0xa1: {  	[tilespmem:s31+$0x9000] =	vst v0  }
0xa2: {  	v0 =	vld.idx.msk [tilespmem:v1+s16+$0x0], $0xffff;
	_ =	sdelay $0x1  }
0xa3: {  	v2 =	vadd.s32 $0x1, v1;
	_ =	sdelay $0x3  }
0xa4: {  	[tilespmem:s31+$0x1010] =	vst v0  }
0xa5: {  	v0 =	vld.idx.msk [tilespmem:v2+s16+$0x0], $0xffff;
	_ =	sdelay $0x1  }
0xa6: {  	v2 =	vadd.s32 $0x2, v1;
	_ =	sdelay $0x3  }
0xa7: {  	[tilespmem:s31+$0x2010] =	vst v0  }
0xa8: {  	v0 =	vld.idx.msk [tilespmem:v2+s16+$0x0], $0xffff;
	_ =	sdelay $0x1  }
0xa9: {  	v2 =	vadd.s32 $0x3, v1;
	_ =	sdelay $0x3  }
0xaa: {  	[tilespmem:s31+$0x3010] =	vst v0  }
0xab: {  	v0 =	vld.idx.msk [tilespmem:v2+s16+$0x0], $0xffff;
	_ =	sdelay $0x1  }
0xac: {  	v2 =	vadd.s32 $0x4, v1;
	_ =	sdelay $0x3  }
0xad: {  	[tilespmem:s31+$0x4010] =	vst v0  }
0xae: {  	v0 =	vld.idx.msk [tilespmem:v2+s16+$0x0], $0xffff;
	_ =	sdelay $0x1  }
0xaf: {  	v2 =	vadd.s32 $0x5, v1;
	_ =	sdelay $0x3  }
0xb0: {  	[tilespmem:s31+$0x5010] =	vst v0  }
0xb1: {  	v0 =	vld.idx.msk [tilespmem:v2+s16+$0x0], $0xffff;
	_ =	sdelay $0x1  }
0xb2: {  	v2 =	vadd.s32 $0x6, v1;
	_ =	sdelay $0x3  }
0xb3: {  	[tilespmem:s31+$0x6010] =	vst v0  }
0xb4: {  	v0 =	vld.idx.msk [tilespmem:v2+s16+$0x0], $0xffff;
	_ =	sdelay $0x1  }
0xb5: {  	v2 =	vadd.s32 $0x7, v1;
	_ =	sdelay $0x3  }
0xb6: {  	[tilespmem:s31+$0x7010] =	vst v0  }
0xb7: {  	v0 =	vld.idx.msk [tilespmem:v2+s16+$0x0], $0xffff;
	_ =	sdelay $0x1  }
0xb8: {  	v1 =	vadd.s32 $0x8, v1  }
0xb9: {  	v2 =	vld [tilespmem:s31+$0x20];
	_ =	sdelay $0x2  }
0xba: {  	[tilespmem:s31+$0x8010] =	vst v0  }
0xbb: {  	v0 =	vld.idx.msk [tilespmem:v1+s16+$0x0], $0xffff  }
0xbc: {  	v1 =	vmul.u32 $0x9, v2;
	_ =	sdelay $0x4  }
0xbd: {  	[tilespmem:s31+$0x9010] =	vst v0  }
0xbe: {  	v0 =	vld.idx.msk [tilespmem:v1+s16+$0x0], $0xffff;
	_ =	sdelay $0x1  }
0xbf: {  	v2 =	vadd.s32 $0x1, v1;
	_ =	sdelay $0x3  }
0xc0: {  	[tilespmem:s31+$0x1020] =	vst v0  }
0xc1: {  	v0 =	vld.idx.msk [tilespmem:v2+s16+$0x0], $0xffff;
	_ =	sdelay $0x1  }
0xc2: {  	v2 =	vadd.s32 $0x2, v1;
	_ =	sdelay $0x3  }
0xc3: {  	[tilespmem:s31+$0x2020] =	vst v0  }
0xc4: {  	v0 =	vld.idx.msk [tilespmem:v2+s16+$0x0], $0xffff;
	_ =	sdelay $0x1  }
0xc5: {  	v2 =	vadd.s32 $0x3, v1;
	_ =	sdelay $0x3  }
0xc6: {  	[tilespmem:s31+$0x3020] =	vst v0  }
0xc7: {  	v0 =	vld.idx.msk [tilespmem:v2+s16+$0x0], $0xffff;
	_ =	sdelay $0x1  }
0xc8: {  	v2 =	vadd.s32 $0x4, v1;
	_ =	sdelay $0x3  }
0xc9: {  	[tilespmem:s31+$0x4020] =	vst v0  }
0xca: {  	v0 =	vld.idx.msk [tilespmem:v2+s16+$0x0], $0xffff;
	_ =	sdelay $0x1  }
0xcb: {  	v2 =	vadd.s32 $0x5, v1;
	_ =	sdelay $0x3  }
0xcc: {  	[tilespmem:s31+$0x5020] =	vst v0  }
0xcd: {  	v0 =	vld.idx.msk [tilespmem:v2+s16+$0x0], $0xffff;
	_ =	sdelay $0x1  }
0xce: {  	v2 =	vadd.s32 $0x6, v1;
	_ =	sdelay $0x3  }
0xcf: {  	[tilespmem:s31+$0x6020] =	vst v0  }
0xd0: {  	v0 =	vld.idx.msk [tilespmem:v2+s16+$0x0], $0xffff;
	_ =	sdelay $0x1  }
0xd1: {  	v2 =	vadd.s32 $0x7, v1;
	_ =	sdelay $0x3  }
0xd2: {  	[tilespmem:s31+$0x7020] =	vst v0  }
0xd3: {  	v0 =	vld.idx.msk [tilespmem:v2+s16+$0x0], $0xffff;
	_ =	sdelay $0x1  }
0xd4: {  	v1 =	vadd.s32 $0x8, v1  }
0xd5: {  	v2 =	vld [tilespmem:s31+$0x30];
	_ =	sdelay $0x2  }
0xd6: {  	[tilespmem:s31+$0x8020] =	vst v0  }
0xd7: {  	v0 =	vld.idx.msk [tilespmem:v1+s16+$0x0], $0xffff  }
0xd8: {  	v1 =	vmul.u32 $0x9, v2;
	_ =	sdelay $0x4  }
0xd9: {  	[tilespmem:s31+$0x9020] =	vst v0  }
0xda: {  	v0 =	vld.idx.msk [tilespmem:v1+s16+$0x0], $0xffff;
	_ =	sdelay $0x1  }
0xdb: {  	v2 =	vadd.s32 $0x1, v1;
	_ =	sdelay $0x3  }
0xdc: {  	[tilespmem:s31+$0x1030] =	vst v0  }
0xdd: {  	v0 =	vld.idx.msk [tilespmem:v2+s16+$0x0], $0xffff;
	_ =	sdelay $0x1  }
0xde: {  	v2 =	vadd.s32 $0x2, v1;
	_ =	sdelay $0x3  }
0xdf: {  	[tilespmem:s31+$0x2030] =	vst v0  }
0xe0: {  	v0 =	vld.idx.msk [tilespmem:v2+s16+$0x0], $0xffff;
	_ =	sdelay $0x1  }
0xe1: {  	v2 =	vadd.s32 $0x3, v1;
	_ =	sdelay $0x3  }
0xe2: {  	[tilespmem:s31+$0x3030] =	vst v0  }
0xe3: {  	v0 =	vld.idx.msk [tilespmem:v2+s16+$0x0], $0xffff;
	_ =	sdelay $0x1  }
0xe4: {  	v2 =	vadd.s32 $0x4, v1;
	_ =	sdelay $0x3  }
0xe5: {  	[tilespmem:s31+$0x4030] =	vst v0  }
0xe6: {  	v0 =	vld.idx.msk [tilespmem:v2+s16+$0x0], $0xffff;
	_ =	sdelay $0x1  }
0xe7: {  	v2 =	vadd.s32 $0x5, v1;
	_ =	sdelay $0x3  }
0xe8: {  	[tilespmem:s31+$0x5030] =	vst v0  }
0xe9: {  	v0 =	vld.idx.msk [tilespmem:v2+s16+$0x0], $0xffff;
	_ =	sdelay $0x1  }
0xea: {  	v2 =	vadd.s32 $0x6, v1;
	_ =	sdelay $0x3  }
0xeb: {  	[tilespmem:s31+$0x6030] =	vst v0  }
0xec: {  	v0 =	vld.idx.msk [tilespmem:v2+s16+$0x0], $0xffff;
	_ =	sdelay $0x1  }
0xed: {  	v2 =	vadd.s32 $0x7, v1;
	_ =	sdelay $0x2  }
.Ltmp0:
0xee: {  	(pc) =	sbr.rel @p0 .LBB2_3-.Ltmp0, $3  }
0xef: {  	[tilespmem:s31+$0x7030] =	vst v0  }
0xf0: {  	v0 =	vld.idx.msk [tilespmem:v2+s16+$0x0], $0xffff;
	_ =	sdelay $0x1  }
0xf1: {  	s4 =	sshra.s32 s0, $0x2;
	s0 =	sadd.s32 $0x100, s0;
	v1 =	vadd.s32 $0x8, v1  }
0xf2: {  	v2 =	vld [tilespmem:s4+$0x0];
	_ =	sdelay $0x3  }
0xf3: {  	[tilespmem:s31+$0x8030] =	vst v0  }
0xf4: {  	v0 =	vld.idx.msk [tilespmem:v1+s16+$0x0], $0xffff;
	v33 =	vmul.u32 $0x9, v2;
	_ =	sdelay $0x4  }
0xf5: {  	[tilespmem:s31+$0x9030] =	vst v0  }
0xf6: {  	v0 =	vld.idx.msk [tilespmem:v33+s16+$0x0], $0xffff  }
0xf7: {  	v2 =	vadd.s32 $0x1, v33;
	_ =	sdelay $0x3  }
0xf8: {  	[tilespmem:s4+$0x1000] =	vst v0  }
0xf9: {  	v0 =	vld.idx.msk [tilespmem:v2+s16+$0x0], $0xffff  }
0xfa: {  	v34 =	vadd.s32 $0x2, v33;
	_ =	sdelay $0x3  }
0xfb: {  	[tilespmem:s4+$0x2000] =	vst v0  }
0xfc: {  	v0 =	vld.idx.msk [tilespmem:v34+s16+$0x0], $0xffff  }
0xfd: {  	v35 =	vadd.s32 $0x3, v33;
	_ =	sdelay $0x3  }
0xfe: {  	[tilespmem:s4+$0x3000] =	vst v0  }
0xff: {  	v0 =	vld.idx.msk [tilespmem:v35+s16+$0x0], $0xffff  }
0x100: {  	v36 =	vadd.s32 $0x4, v33;
	_ =	sdelay $0x3  }
0x101: {  	[tilespmem:s4+$0x4000] =	vst v0  }
0x102: {  	v0 =	vld.idx.msk [tilespmem:v36+s16+$0x0], $0xffff  }
0x103: {  	v37 =	vadd.s32 $0x5, v33;
	_ =	sdelay $0x3  }
0x104: {  	[tilespmem:s4+$0x5000] =	vst v0  }
0x105: {  	v0 =	vld.idx.msk [tilespmem:v37+s16+$0x0], $0xffff  }
0x106: {  	v38 =	vadd.s32 $0x6, v33;
	_ =	sdelay $0x3  }
0x107: {  	[tilespmem:s4+$0x6000] =	vst v0  }
0x108: {  	v0 =	vld.idx.msk [tilespmem:v38+s16+$0x0], $0xffff  }
0x109: {  	v39 =	vadd.s32 $0x7, v33;
	_ =	sdelay $0x3  }
0x10a: {  	[tilespmem:s4+$0x7000] =	vst v0  }
0x10b: {  	v0 =	vld.idx.msk [tilespmem:v39+s16+$0x0], $0xffff  }
0x10c: {  	v1 =	vadd.s32 $0x8, v33;
	v40 =	vld [tilespmem:s4+$0x10];
	_ =	sdelay $0x3  }
0x10d: {  	[tilespmem:s4+$0x8000] =	vst v0  }
0x10e: {  	v41 =	vmul.u32 $0x9, v40;
	v0 =	vld.idx.msk [tilespmem:v1+s16+$0x0], $0xffff;
	_ =	sdelay $0x4  }
0x10f: {  	[tilespmem:s4+$0x9000] =	vst v0  }
0x110: {  	v0 =	vld.idx.msk [tilespmem:v41+s16+$0x0], $0xffff  }
0x111: {  	v2 =	vadd.s32 $0x1, v41;
	_ =	sdelay $0x3  }
0x112: {  	[tilespmem:s4+$0x1010] =	vst v0  }
0x113: {  	v0 =	vld.idx.msk [tilespmem:v2+s16+$0x0], $0xffff  }
0x114: {  	v42 =	vadd.s32 $0x2, v41;
	_ =	sdelay $0x3  }
0x115: {  	[tilespmem:s4+$0x2010] =	vst v0  }
0x116: {  	v0 =	vld.idx.msk [tilespmem:v42+s16+$0x0], $0xffff  }
0x117: {  	v43 =	vadd.s32 $0x3, v41;
	_ =	sdelay $0x3  }
0x118: {  	[tilespmem:s4+$0x3010] =	vst v0  }
0x119: {  	v0 =	vld.idx.msk [tilespmem:v43+s16+$0x0], $0xffff  }
0x11a: {  	v44 =	vadd.s32 $0x4, v41;
	_ =	sdelay $0x3  }
0x11b: {  	[tilespmem:s4+$0x4010] =	vst v0  }
0x11c: {  	v0 =	vld.idx.msk [tilespmem:v44+s16+$0x0], $0xffff  }
0x11d: {  	v45 =	vadd.s32 $0x5, v41;
	_ =	sdelay $0x3  }
0x11e: {  	[tilespmem:s4+$0x5010] =	vst v0  }
0x11f: {  	v0 =	vld.idx.msk [tilespmem:v45+s16+$0x0], $0xffff  }
0x120: {  	v46 =	vadd.s32 $0x6, v41;
	_ =	sdelay $0x3  }
0x121: {  	[tilespmem:s4+$0x6010] =	vst v0  }
0x122: {  	v0 =	vld.idx.msk [tilespmem:v46+s16+$0x0], $0xffff  }
0x123: {  	v47 =	vadd.s32 $0x7, v41;
	_ =	sdelay $0x3  }
0x124: {  	[tilespmem:s4+$0x7010] =	vst v0  }
0x125: {  	v0 =	vld.idx.msk [tilespmem:v47+s16+$0x0], $0xffff  }
0x126: {  	v48 =	vld [tilespmem:s4+$0x20];
	v1 =	vadd.s32 $0x8, v41;
	_ =	sdelay $0x3  }
0x127: {  	[tilespmem:s4+$0x8010] =	vst v0  }
0x128: {  	v49 =	vmul.u32 $0x9, v48;
	v0 =	vld.idx.msk [tilespmem:v1+s16+$0x0], $0xffff;
	_ =	sdelay $0x4  }
0x129: {  	[tilespmem:s4+$0x9010] =	vst v0  }
0x12a: {  	v0 =	vld.idx.msk [tilespmem:v49+s16+$0x0], $0xffff  }
0x12b: {  	v2 =	vadd.s32 $0x1, v49;
	_ =	sdelay $0x3  }
0x12c: {  	[tilespmem:s4+$0x1020] =	vst v0  }
0x12d: {  	v0 =	vld.idx.msk [tilespmem:v2+s16+$0x0], $0xffff  }
0x12e: {  	v50 =	vadd.s32 $0x2, v49;
	_ =	sdelay $0x3  }
0x12f: {  	[tilespmem:s4+$0x2020] =	vst v0  }
0x130: {  	v0 =	vld.idx.msk [tilespmem:v50+s16+$0x0], $0xffff  }
0x131: {  	v51 =	vadd.s32 $0x3, v49;
	_ =	sdelay $0x3  }
0x132: {  	[tilespmem:s4+$0x3020] =	vst v0  }
0x133: {  	v0 =	vld.idx.msk [tilespmem:v51+s16+$0x0], $0xffff  }
0x134: {  	v52 =	vadd.s32 $0x4, v49;
	_ =	sdelay $0x3  }
0x135: {  	[tilespmem:s4+$0x4020] =	vst v0  }
0x136: {  	v0 =	vld.idx.msk [tilespmem:v52+s16+$0x0], $0xffff  }
0x137: {  	v53 =	vadd.s32 $0x5, v49;
	_ =	sdelay $0x3  }
0x138: {  	[tilespmem:s4+$0x5020] =	vst v0  }
0x139: {  	v0 =	vld.idx.msk [tilespmem:v53+s16+$0x0], $0xffff  }
0x13a: {  	v54 =	vadd.s32 $0x6, v49;
	_ =	sdelay $0x3  }
0x13b: {  	[tilespmem:s4+$0x6020] =	vst v0  }
0x13c: {  	v0 =	vld.idx.msk [tilespmem:v54+s16+$0x0], $0xffff  }
0x13d: {  	v55 =	vadd.s32 $0x7, v49;
	_ =	sdelay $0x3  }
0x13e: {  	[tilespmem:s4+$0x7020] =	vst v0  }
0x13f: {  	v0 =	vld.idx.msk [tilespmem:v55+s16+$0x0], $0xffff  }
0x140: {  	v56 =	vld [tilespmem:s4+$0x30];
	v1 =	vadd.s32 $0x8, v49;
	_ =	sdelay $0x3  }
0x141: {  	[tilespmem:s4+$0x8020] =	vst v0  }
0x142: {  	v57 =	vmul.u32 $0x9, v56;
	v0 =	vld.idx.msk [tilespmem:v1+s16+$0x0], $0xffff;
	_ =	sdelay $0x4  }
0x143: {  	[tilespmem:s4+$0x9020] =	vst v0  }
0x144: {  	v0 =	vld.idx.msk [tilespmem:v57+s16+$0x0], $0xffff  }
0x145: {  	v2 =	vadd.s32 $0x1, v57;
	_ =	sdelay $0x3  }
0x146: {  	[tilespmem:s4+$0x1030] =	vst v0  }
0x147: {  	v0 =	vld.idx.msk [tilespmem:v2+s16+$0x0], $0xffff  }
0x148: {  	v58 =	vadd.s32 $0x2, v57;
	_ =	sdelay $0x3  }
0x149: {  	[tilespmem:s4+$0x2030] =	vst v0  }
0x14a: {  	v0 =	vld.idx.msk [tilespmem:v58+s16+$0x0], $0xffff  }
0x14b: {  	v59 =	vadd.s32 $0x3, v57;
	_ =	sdelay $0x3  }
0x14c: {  	[tilespmem:s4+$0x3030] =	vst v0  }
0x14d: {  	v0 =	vld.idx.msk [tilespmem:v59+s16+$0x0], $0xffff  }
0x14e: {  	v60 =	vadd.s32 $0x4, v57;
	_ =	sdelay $0x3  }
0x14f: {  	[tilespmem:s4+$0x4030] =	vst v0  }
0x150: {  	v0 =	vld.idx.msk [tilespmem:v60+s16+$0x0], $0xffff  }
0x151: {  	v61 =	vadd.s32 $0x5, v57;
	_ =	sdelay $0x3  }
0x152: {  	[tilespmem:s4+$0x5030] =	vst v0  }
0x153: {  	v0 =	vld.idx.msk [tilespmem:v61+s16+$0x0], $0xffff  }
0x154: {  	v62 =	vadd.s32 $0x6, v57;
	_ =	sdelay $0x3  }
0x155: {  	[tilespmem:s4+$0x6030] =	vst v0  }
0x156: {  	v0 =	vld.idx.msk [tilespmem:v62+s16+$0x0], $0xffff  }
0x157: {  	v63 =	vadd.s32 $0x7, v57;
	_ =	sdelay $0x3  }
0x158: {  	[tilespmem:s4+$0x7030] =	vst v0  }
0x159: {  	v0 =	vld.idx.msk [tilespmem:v63+s16+$0x0], $0xffff  }
0x15a: {  	v1 =	vadd.s32 $0x8, v57;
	_ =	sdelay $0x3  }
0x15b: {  	[tilespmem:s4+$0x8030] =	vst v0  }
0x15c: {  	v0 =	vld.idx.msk [tilespmem:v1+s16+$0x0], $0xffff;
	_ =	sdelay $0x4  }
0x15d: {  	s0 =	sadd.s32 s5, s30;
	[tilespmem:s4+$0x9030] =	vst v0  }
0x15e: {  	[hbm4b:s0+s3] =	stream.linear.scatter [tilespmem:s18], [sflag:$0x1], $0x1000, $0x38;
	[tilespmem:$0xA090] =	vst v63  }
0x15f: {  	_ =	swait.ge [sflag:s17], $0x1000  }
0x160: {  	[sflag:s17] =	ssyncset.done $0x0  }
0x161: {  	s4 =	sadd.s32 s30, s7;
	[sflag:s17] =	ssyncadd.s32 $0xFFFFF000  }
0x162: {  	[hbm4b:s4+s3] =	stream.linear.scatter [tilespmem:s19], [sflag:$0x1], $0x1000, $0x38;
	[tilespmem:$0xA090] =	vst v63  }
0x163: {  	_ =	swait.ge [sflag:s17], $0x1000  }
0x164: {  	[sflag:s17] =	ssyncset.done $0x0  }
0x165: {  	s31 =	sadd.s32 s30, s8;
	[sflag:s17] =	ssyncadd.s32 $0xFFFFF000  }
0x166: {  	[hbm4b:s31+s3] =	stream.linear.scatter [tilespmem:s20], [sflag:$0x1], $0x1000, $0x38;
	[tilespmem:$0xA090] =	vst v63  }
0x167: {  	_ =	swait.ge [sflag:s17], $0x1000  }
0x168: {  	[sflag:s17] =	ssyncset.done $0x0  }
0x169: {  	s4 =	sadd.s32 s30, s9;
	[sflag:s17] =	ssyncadd.s32 $0xFFFFF000  }
0x16a: {  	[hbm4b:s4+s3] =	stream.linear.scatter [tilespmem:s21], [sflag:$0x1], $0x1000, $0x38;
	[tilespmem:$0xA090] =	vst v63  }
0x16b: {  	_ =	swait.ge [sflag:s17], $0x1000  }
0x16c: {  	[sflag:s17] =	ssyncset.done $0x0  }
0x16d: {  	s31 =	sadd.s32 s30, s10;
	[sflag:s17] =	ssyncadd.s32 $0xFFFFF000  }
0x16e: {  	[hbm4b:s31+s3] =	stream.linear.scatter [tilespmem:s22], [sflag:$0x1], $0x1000, $0x38;
	[tilespmem:$0xA090] =	vst v63  }
0x16f: {  	_ =	swait.ge [sflag:s17], $0x1000  }
0x170: {  	[sflag:s17] =	ssyncset.done $0x0  }
0x171: {  	s4 =	sadd.s32 s30, s11;
	[sflag:s17] =	ssyncadd.s32 $0xFFFFF000  }
0x172: {  	[hbm4b:s4+s3] =	stream.linear.scatter [tilespmem:s23], [sflag:$0x1], $0x1000, $0x38;
	[tilespmem:$0xA090] =	vst v63  }
0x173: {  	_ =	swait.ge [sflag:s17], $0x1000  }
0x174: {  	[sflag:s17] =	ssyncset.done $0x0  }
0x175: {  	s31 =	sadd.s32 s30, s12;
	[sflag:s17] =	ssyncadd.s32 $0xFFFFF000  }
0x176: {  	[hbm4b:s31+s3] =	stream.linear.scatter [tilespmem:s24], [sflag:$0x1], $0x1000, $0x38;
	[tilespmem:$0xA090] =	vst v63  }
0x177: {  	_ =	swait.ge [sflag:s17], $0x1000  }
0x178: {  	[sflag:s17] =	ssyncset.done $0x0  }
0x179: {  	s4 =	sadd.s32 s30, s13;
	[sflag:s17] =	ssyncadd.s32 $0xFFFFF000  }
0x17a: {  	[hbm4b:s4+s3] =	stream.linear.scatter [tilespmem:s25], [sflag:$0x1], $0x1000, $0x38;
	[tilespmem:$0xA090] =	vst v63  }
0x17b: {  	s29 =	sadd.s32 $0x1, s29;
	_ =	swait.ge [sflag:s17], $0x1000  }
0x17c: {  	p0 =	sne.s32 s29, $0x8;
	[sflag:s17] =	ssyncset.done $0x0  }
.Ltmp1:
0x17d: {  	s31 =	sadd.s32 s30, s14;
	[sflag:s17] =	ssyncadd.s32 $0xFFFFF000;
	(pc) =	sbr.rel @p0 .LBB2_2-.Ltmp1, $4  }
0x17e: {  	[hbm4b:s31+s3] =	stream.linear.scatter [tilespmem:s26], [sflag:$0x1], $0x1000, $0x38;
	[tilespmem:$0xA090] =	vst v63  }
0x17f: {  	_ =	swait.ge [sflag:s17], $0x1000  }
0x180: {  	[sflag:s17] =	ssyncset.done $0x0  }
0x181: {  	[sflag:s17] =	ssyncadd.s32 $0xFFFFF000  }
0x182: {  	s28 =	sadd.s32 $0x1, s28  }
0x183: {  	p0 =	sne.s32 s28, s15  }
.Ltmp2:
0x184: {  	_ = 	snop;
	(pc) =	sbr.rel @p0 .LBB2_1-.Ltmp2, $1  }
0x185: {  	_ =	sdelay $0x3  }
0x186: {  	_ =	sfence.sel $0x180000  }
0x187: {  	[bflag:$0x0] =	sbarrier.arrive $0xFFFF  }
0x188: {  	_ =	strace $0x90000047  }
0x189: {  	s0 =	stileid.u32;
	[bflag:$0x2] =	sbarrier.arrive $0xFFFF  }
0x18a: {  	p0 =	sne.s32 s0, $0x0;
	s0 =	rddreg [dreg:$0x3]  }
0x18b: {  	s0 =	sadd.s32 @!p0 $0x100000, s0  }
0x18c: {  	[sflag:s0] =	ssyncadd.tile.s32 @!p0 $0x1;
	_ =	shalt  }
.Lfunc_end2:
_tile_overlayer_lowered:
.L_overlay_start_2:
0x18d: {  	(tag) =	ssettag $0x2  }
0x18e: {  	s0 =	rddreg [dreg:$0x0];
	s2 =	stileid.u32  }
0x18f: {  	s1 =	rddreg [dreg:$0x1];
	p0 =	sne.s32 s2, $0x0  }
0x190: {  	s3 =	rddreg [dreg:$0x2];
	[bflag:$0x3] =	sbarrier.arrive $0xFFFF;
	s2 =	simm.s32 @!p0 $0x1C01  }
0x191: {  	[timem:s3], [sflag:s2] =	dma.local @!p0 [hbm:s0], s1  }
0x192: {  	s0 =	simm.s32 @!p0 $0x1  }
0x193: {  	_ =	swait.ge @!p0 [sflag:s0], s1  }
0x194: {  	s1 =	ssub.s32 @!p0 $0x0, s1;
	[sflag:s0] =	ssyncset.done @!p0 $0x0  }
0x195: {  	[sflag:s0] =	ssyncadd.s32 @!p0 s1  }
0x196: {  	[bflag:$0x3] =	sbarrier.arrive $0xFFFF  }
0x197: {  	_ =	shalt  }

</sc_bundles>
